<compile_context>
chip_gen: v7x
topology: tpu7x:2x2x1
jax: 0.10.2.dev20260603
libtpu: 0.0.44.dev20260713+nightly
codegen_flags: <defaults>
</compile_context>

<pallas_src>
import functools

import jax
import jax.numpy as jnp
from jax import lax
from jax.experimental import pallas as pl
from jax.experimental.pallas import tpu as pltpu
from jax.experimental.pallas import tpu_sc as plsc

CAP = 65536
X_DIM = 128
Y0, Y1 = 32, 32

GRID = 32
CH = CAP // GRID


def _cam_body(pos_ref, crow_ref, cb_in, cb_out):
    i = pl.program_id(0)
    base = i * CH
    pos = pos_ref[0]
    local = pos - base
    in_range = (pos >= base) & (pos < base + CH)

    @pl.when(in_range)
    def _cam_sel():
        lane = jax.lax.broadcasted_iota(jnp.int32, (Y0, Y1, CH), 2)
        cb_out[...] = jnp.where(lane == local, crow_ref[...], cb_in[...])

    @pl.when(jnp.logical_not(in_range))
    def _cam_copy():
        cb_out[...] = cb_in[...]



NC = 2
NS = 16
NW = NC * NS

ST_TROWS = CAP // NW
SR_S = 256
NBUF_S = 3
ST_STRIPES = ST_TROWS // SR_S

IT_CHUNK = 16384
IT_STRIPES = CAP // IT_CHUNK


def _sc_body(pos16_h, cnt16_h, srow_h, sb_h, it_h, sb_o, it_o,
             st_buf, it_buf, srow_v, posv, cntv,
             sem_si, sem_so, sem_it, sem_row):
    wid = lax.axis_index("s") * NC + lax.axis_index("c")

    pltpu.async_copy(pos16_h, posv, sem_row).wait()
    pltpu.async_copy(cnt16_h, cntv, sem_row).wait()
    pos = posv[...][0]
    cnt = cntv[...][0]

    st_base = wid * ST_TROWS
    sins = {}
    souts = {}

    def st_in(s):
        b = s % NBUF_S
        sins[s] = pltpu.async_copy(
            sb_h.at[pl.ds(st_base + s * SR_S, SR_S)], st_buf.at[b],
            sem_si.at[b])

    def st_out(s):
        b = s % NBUF_S
        souts[s] = pltpu.async_copy(
            st_buf.at[b], sb_o.at[pl.ds(st_base + s * SR_S, SR_S)],
            sem_so.at[b])

    for s in range(min(NBUF_S, ST_STRIPES)):
        st_in(s)
    for s in range(ST_STRIPES):
        sins[s].wait()
        st_out(s)
        t = s - 1
        if t >= 0 and t + NBUF_S < ST_STRIPES:
            souts[t].wait()
            st_in(t + NBUF_S)
    swaited = set(range(0, max(0, ST_STRIPES - NBUF_S)))
    for s in range(ST_STRIPES):
        if s not in swaited:
            souts[s].wait()

    @pl.when(wid == pos // ST_TROWS)
    def _st_row():
        pltpu.async_copy(srow_h, srow_v, sem_row).wait()
        pltpu.async_copy(srow_v, sb_o.at[pl.ds(pos, 1)], sem_row).wait()

    @pl.when(wid == 0)
    def _iter():
        for s in range(IT_STRIPES):
            base = s * IT_CHUNK
            pltpu.async_copy(it_h.at[pl.ds(base, IT_CHUNK)], it_buf,
                             sem_it).wait()

            @pl.when((pos >= base) & (pos < base + IT_CHUNK))
            def _patch(base=base):
                local = pos - base
                off = (local // 16) * 16
                lane = local - off
                v = it_buf[pl.ds(off, 16)]
                w = jnp.where(lax.iota(jnp.int32, 16) == lane, cnt, v)
                it_buf[pl.ds(off, 16)] = w

            pltpu.async_copy(it_buf, it_o.at[pl.ds(base, IT_CHUNK)],
                             sem_it).wait()


def _sc_push(state_buffer, iter_buffer, pos16, cnt16, srow):
    mesh = plsc.VectorSubcoreMesh(core_axis_name="c", subcore_axis_name="s")
    f = pl.kernel(
        _sc_body,
        out_type=[
            jax.ShapeDtypeStruct((CAP, X_DIM), jnp.float32),
            jax.ShapeDtypeStruct((CAP,), jnp.int32),
        ],
        mesh=mesh,
        scratch_types=[
            pltpu.VMEM((NBUF_S, SR_S, X_DIM), jnp.float32),
            pltpu.VMEM((IT_CHUNK,), jnp.int32),
            pltpu.VMEM((1, X_DIM), jnp.float32),
            pltpu.VMEM((16,), jnp.int32),
            pltpu.VMEM((16,), jnp.int32),
            pltpu.SemaphoreType.DMA((NBUF_S,)),
            pltpu.SemaphoreType.DMA((NBUF_S,)),
            pltpu.SemaphoreType.DMA,
            pltpu.SemaphoreType.DMA,
        ],
    )
    return f(pos16, cnt16, srow, state_buffer, iter_buffer)


def kernel(state_buffer, cam_data_buffer, iter_buffer, position, state,
           cam_data, count):
    pos2 = position.reshape(1)
    pos16 = jnp.broadcast_to(position, (16,)).astype(jnp.int32)
    cnt16 = jnp.broadcast_to(count, (16,)).astype(jnp.int32)
    srow = state.reshape(1, X_DIM)
    crow = cam_data.reshape(Y0, Y1, 1)
    cam_t = jax.lax.transpose(cam_data_buffer, (1, 2, 0))

    out_cb = pl.pallas_call(
        _cam_body,
        grid=(GRID,),
        in_specs=[
            pl.BlockSpec(memory_space=pltpu.SMEM),
            pl.BlockSpec((Y0, Y1, 1), lambda i: (0, 0, 0)),
            pl.BlockSpec((Y0, Y1, CH), lambda i: (0, 0, i)),
        ],
        out_specs=pl.BlockSpec((Y0, Y1, CH), lambda i: (0, 0, i)),
        out_shape=jax.ShapeDtypeStruct((Y0, Y1, CAP), jnp.float32),
        compiler_params=pltpu.CompilerParams(
            dimension_semantics=("arbitrary",),
        ),
    )(pos2, crow, cam_t)

    out_sb, out_it = _sc_push(state_buffer, iter_buffer, pos16, cnt16, srow)

    new_position = jnp.remainder(position + 1, CAP)
    full_buffer = (position + 1) == CAP
    return (out_sb, jax.lax.transpose(out_cb, (2, 0, 1)), out_it,
            new_position, full_buffer)

# --- scband reference (transcript-rebuilt; emitter-appended) ---
"""Pipeline reference for scband-fingerprint-buffer-torch-16664473108548 (READ-ONLY COPY).

The authoritative reference and input builder live on the scoring server;
editing this copy changes nothing except your own understanding.
"""

import jax, jax.numpy as jnp
import numpy as np

CAPACITY = 65536
X_DIM = 128
Y_DIM = (32, 32)


def setup_inputs(seed: int = 0) -> dict:
    key = jax.random.key(seed)
    ks = jax.random.split(key, 6)
    return {
        # module state (buffers), materialized like learned params
        "state_buffer": jax.random.normal(ks[0], (CAPACITY, X_DIM), dtype=jnp.float32),
        "cam_data_buffer": jax.random.normal(ks[1], (CAPACITY,) + Y_DIM, dtype=jnp.float32),
        "iter_buffer": jax.random.randint(ks[2], (CAPACITY,), 0, 1_000_000, dtype=jnp.int32),
        "position": jnp.array(12345, dtype=jnp.int32),
        # push() arguments
        "state": jax.random.normal(ks[3], (X_DIM,), dtype=jnp.float32),
        "cam_data": jax.random.normal(ks[4], Y_DIM, dtype=jnp.float32),
        "count": jnp.array(777, dtype=jnp.int32),
    }


def reference(state_buffer, cam_data_buffer, iter_buffer, position, state, cam_data, count):
    # Faithful translation of FingerprintBufferTorch.push:
    #   full flag when position + 1 == capacity
    #   scatter-overwrite cam_data_buffer[position], state_buffer[position], iter_buffer[position]
    #   position = (position + 1) % capacity
    full_buffer = (position + 1) == CAPACITY
    new_cam_data_buffer = cam_data_buffer.at[position].set(cam_data)
    new_state_buffer = state_buffer.at[position].set(state)
    new_iter_buffer = iter_buffer.at[position].set(count)
    new_position = jnp.remainder(position + 1, CAPACITY)
    return (new_state_buffer, new_cam_data_buffer, new_iter_buffer, new_position, full_buffer)

if __name__ == "__main__":
    import jax
    _d = setup_inputs()
    print(jax.jit(kernel)(*tuple(_d.values())))

</pallas_src>

<mosaic_0001>
#map = affine_map<(d0, d1) -> (0)>
#map1 = affine_map<(d0, d1) -> (0, 0)>
module attributes {stable_mosaic.version = 14 : i64} {
  func.func @_sc_body(%arg0: i32, %arg1: i32, %arg2: memref<16xi32, #tpu.memory_space<hbm>>, %arg3: memref<16xi32, #tpu.memory_space<hbm>>, %arg4: memref<1x128xf32, #tpu.memory_space<hbm>>, %arg5: memref<65536x128xf32, #tpu.memory_space<hbm>>, %arg6: memref<65536xi32, #tpu.memory_space<hbm>>, %arg7: memref<65536x128xf32, #tpu.memory_space<hbm>>, %arg8: memref<65536xi32, #tpu.memory_space<hbm>>, %arg9: memref<3x256x128xf32, #tpu.memory_space<vmem>>, %arg10: memref<16384xi32, #tpu.memory_space<vmem>>, %arg11: memref<1x128xf32, #tpu.memory_space<vmem>>, %arg12: memref<16xi32, #tpu.memory_space<vmem>>, %arg13: memref<16xi32, #tpu.memory_space<vmem>>, %arg14: memref<3x!tpu.dma_semaphore, #tpu.memory_space<semaphore_mem>>, %arg15: memref<3x!tpu.dma_semaphore, #tpu.memory_space<semaphore_mem>>, %arg16: memref<!tpu.dma_semaphore, #tpu.memory_space<semaphore_mem>>, %arg17: memref<!tpu.dma_semaphore, #tpu.memory_space<semaphore_mem>>) attributes {dimension_semantics = [#tpu.dimension_semantics<core_parallel>, #tpu.dimension_semantics<subcore_parallel>], iteration_bounds = array<i64: 2, 16>, scalar_prefetch = 0 : i64, scratch_operands = 9 : i64, tpu.core_type = #tpu.core_type<sc_vector_subcore>, window_params = [{transform_indices = #map}, {transform_indices = #map}, {transform_indices = #map1}, {transform_indices = #map1}, {transform_indices = #map}, {transform_indices = #map1}, {transform_indices = #map}]} {
    %mul3A = arith.constant 2 : i32
    %mul3A_0 = arith.muli %arg1, %mul3A : i32
    %add3A = arith.addi %mul3A_0, %arg0 : i32
    tpu.enqueue_dma source(%arg2 : memref<16xi32, #tpu.memory_space<hbm>>) target(%arg12 : memref<16xi32, #tpu.memory_space<vmem>>) target_semaphore(%arg17 : memref<!tpu.dma_semaphore, #tpu.memory_space<semaphore_mem>>)
    tpu.wait_dma2 semaphore(%arg17 : memref<!tpu.dma_semaphore, #tpu.memory_space<semaphore_mem>>) src(%arg2 : memref<16xi32, #tpu.memory_space<hbm>>) dst(%arg12 : memref<16xi32, #tpu.memory_space<vmem>>)
    tpu.enqueue_dma source(%arg3 : memref<16xi32, #tpu.memory_space<hbm>>) target(%arg13 : memref<16xi32, #tpu.memory_space<vmem>>) target_semaphore(%arg17 : memref<!tpu.dma_semaphore, #tpu.memory_space<semaphore_mem>>)
    tpu.wait_dma2 semaphore(%arg17 : memref<!tpu.dma_semaphore, #tpu.memory_space<semaphore_mem>>) src(%arg3 : memref<16xi32, #tpu.memory_space<hbm>>) dst(%arg13 : memref<16xi32, #tpu.memory_space<vmem>>)
    %get3A = arith.constant 0 : index
    %get3A_1 = tpu.vector_load %arg12[%get3A] {strides = array<i32>} : memref<16xi32, #tpu.memory_space<vmem>>, vector<16xi32>,
    %get3A_2 = vector.shape_cast %get3A_1 : vector<16xi32> to vector<16xi32>
    %slice3A = vector.extract_strided_slice %get3A_2 {offsets = [0], sizes = [1], strides = [1]} : vector<16xi32> to vector<1xi32>
    %squeeze3A = vector.extract %slice3A[0] : i32 from vector<1xi32>
    %get3A_3 = arith.constant 0 : index
    %get3A_4 = tpu.vector_load %arg13[%get3A_3] {strides = array<i32>} : memref<16xi32, #tpu.memory_space<vmem>>, vector<16xi32>,
    %get3A_5 = vector.shape_cast %get3A_4 : vector<16xi32> to vector<16xi32>
    %slice3A_6 = vector.extract_strided_slice %get3A_5 {offsets = [0], sizes = [1], strides = [1]} : vector<16xi32> to vector<1xi32>
    %squeeze3A_7 = vector.extract %slice3A_6[0] : i32 from vector<1xi32>
    %mul3A_8 = arith.constant 2048 : i32
    %mul3A_9 = arith.muli %add3A, %mul3A_8 : i32
    %add3A_10 = arith.constant 0 : i32
    %add3A_11 = arith.addi %mul3A_9, %add3A_10 : i32
    %dma_start3A = arith.constant 0 : i32
    %dma_start3A_12 = arith.constant 0 : i32
    %dma_start3A_13 = arith.constant 0 : i32
    %dma_start3A_14 = arith.constant 0 : i32
    %dma_start3A_15 = tpu.memref_slice %arg9[%dma_start3A, %dma_start3A_13, %dma_start3A_14] : memref<3x256x128xf32, #tpu.memory_space<vmem>> -> memref<1x256x128xf32, #tpu.memory_space<vmem>>
    %dma_start3A_16 = tpu.memref_squeeze %dma_start3A_15 : memref<1x256x128xf32, #tpu.memory_space<vmem>> -> memref<256x128xf32, #tpu.memory_space<vmem>>
    %dma_start3A_17 = arith.constant 0 : i32
    %dma_start3A_18 = tpu.memref_slice %arg5[%add3A_11, %dma_start3A_17] : memref<65536x128xf32, #tpu.memory_space<hbm>> -> memref<256x128xf32, #tpu.memory_space<hbm>>
    %dma_start3A_19 = tpu.memref_slice %arg14[%dma_start3A_12] : memref<3x!tpu.dma_semaphore, #tpu.memory_space<semaphore_mem>> -> memref<1x!tpu.dma_semaphore, #tpu.memory_space<semaphore_mem>>
    %dma_start3A_20 = tpu.memref_squeeze %dma_start3A_19 : memref<1x!tpu.dma_semaphore, #tpu.memory_space<semaphore_mem>> -> memref<!tpu.dma_semaphore, #tpu.memory_space<semaphore_mem>>
    %dma_start3A_21 = arith.constant 0 : i32
    %dma_start3A_22 = arith.constant 0 : i32
    %dma_start3A_23 = tpu.memref_slice %arg9[%dma_start3A, %dma_start3A_21, %dma_start3A_22] : memref<3x256x128xf32, #tpu.memory_space<vmem>> -> memref<1x256x128xf32, #tpu.memory_space<vmem>>
    %dma_start3A_24 = tpu.memref_squeeze %dma_start3A_23 : memref<1x256x128xf32, #tpu.memory_space<vmem>> -> memref<256x128xf32, #tpu.memory_space<vmem>>
    %dma_start3A_25 = arith.constant 0 : i32
    %dma_start3A_26 = tpu.memref_slice %arg5[%add3A_11, %dma_start3A_25] : memref<65536x128xf32, #tpu.memory_space<hbm>> -> memref<256x128xf32, #tpu.memory_space<hbm>>
    tpu.enqueue_dma source(%dma_start3A_26 : memref<256x128xf32, #tpu.memory_space<hbm>>) target(%dma_start3A_24 : memref<256x128xf32, #tpu.memory_space<vmem>>) target_semaphore(%dma_start3A_20 : memref<!tpu.dma_semaphore, #tpu.memory_space<semaphore_mem>>)
    %add3A_27 = arith.constant 256 : i32
    %add3A_28 = arith.addi %mul3A_9, %add3A_27 : i32
    %dma_start3A_29 = arith.constant 1 : i32
    %dma_start3A_30 = arith.constant 1 : i32
    %dma_start3A_31 = arith.constant 0 : i32
    %dma_start3A_32 = arith.constant 0 : i32
    %dma_start3A_33 = tpu.memref_slice %arg9[%dma_start3A_29, %dma_start3A_31, %dma_start3A_32] : memref<3x256x128xf32, #tpu.memory_space<vmem>> -> memref<1x256x128xf32, #tpu.memory_space<vmem>>
    %dma_start3A_34 = tpu.memref_squeeze %dma_start3A_33 : memref<1x256x128xf32, #tpu.memory_space<vmem>> -> memref<256x128xf32, #tpu.memory_space<vmem>>
    %dma_start3A_35 = arith.constant 0 : i32
    %dma_start3A_36 = tpu.memref_slice %arg5[%add3A_28, %dma_start3A_35] : memref<65536x128xf32, #tpu.memory_space<hbm>> -> memref<256x128xf32, #tpu.memory_space<hbm>>
    %dma_start3A_37 = tpu.memref_slice %arg14[%dma_start3A_30] : memref<3x!tpu.dma_semaphore, #tpu.memory_space<semaphore_mem>> -> memref<1x!tpu.dma_semaphore, #tpu.memory_space<semaphore_mem>>
    %dma_start3A_38 = tpu.memref_squeeze %dma_start3A_37 : memref<1x!tpu.dma_semaphore, #tpu.memory_space<semaphore_mem>> -> memref<!tpu.dma_semaphore, #tpu.memory_space<semaphore_mem>>
    %dma_start3A_39 = arith.constant 0 : i32
    %dma_start3A_40 = arith.constant 0 : i32
    %dma_start3A_41 = tpu.memref_slice %arg9[%dma_start3A_29, %dma_start3A_39, %dma_start3A_40] : memref<3x256x128xf32, #tpu.memory_space<vmem>> -> memref<1x256x128xf32, #tpu.memory_space<vmem>>
    %dma_start3A_42 = tpu.memref_squeeze %dma_start3A_41 : memref<1x256x128xf32, #tpu.memory_space<vmem>> -> memref<256x128xf32, #tpu.memory_space<vmem>>
    %dma_start3A_43 = arith.constant 0 : i32
    %dma_start3A_44 = tpu.memref_slice %arg5[%add3A_28, %dma_start3A_43] : memref<65536x128xf32, #tpu.memory_space<hbm>> -> memref<256x128xf32, #tpu.memory_space<hbm>>
    tpu.enqueue_dma source(%dma_start3A_44 : memref<256x128xf32, #tpu.memory_space<hbm>>) target(%dma_start3A_42 : memref<256x128xf32, #tpu.memory_space<vmem>>) target_semaphore(%dma_start3A_38 : memref<!tpu.dma_semaphore, #tpu.memory_space<semaphore_mem>>)
    %add3A_45 = arith.constant 512 : i32
    %add3A_46 = arith.addi %mul3A_9, %add3A_45 : i32
    %dma_start3A_47 = arith.constant 2 : i32
    %dma_start3A_48 = arith.constant 2 : i32
    %dma_start3A_49 = arith.constant 0 : i32
    %dma_start3A_50 = arith.constant 0 : i32
    %dma_start3A_51 = tpu.memref_slice %arg9[%dma_start3A_47, %dma_start3A_49, %dma_start3A_50] : memref<3x256x128xf32, #tpu.memory_space<vmem>> -> memref<1x256x128xf32, #tpu.memory_space<vmem>>
    %dma_start3A_52 = tpu.memref_squeeze %dma_start3A_51 : memref<1x256x128xf32, #tpu.memory_space<vmem>> -> memref<256x128xf32, #tpu.memory_space<vmem>>
    %dma_start3A_53 = arith.constant 0 : i32
    %dma_start3A_54 = tpu.memref_slice %arg5[%add3A_46, %dma_start3A_53] : memref<65536x128xf32, #tpu.memory_space<hbm>> -> memref<256x128xf32, #tpu.memory_space<hbm>>
    %dma_start3A_55 = tpu.memref_slice %arg14[%dma_start3A_48] : memref<3x!tpu.dma_semaphore, #tpu.memory_space<semaphore_mem>> -> memref<1x!tpu.dma_semaphore, #tpu.memory_space<semaphore_mem>>
    %dma_start3A_56 = tpu.memref_squeeze %dma_start3A_55 : memref<1x!tpu.dma_semaphore, #tpu.memory_space<semaphore_mem>> -> memref<!tpu.dma_semaphore, #tpu.memory_space<semaphore_mem>>
    %dma_start3A_57 = arith.constant 0 : i32
    %dma_start3A_58 = arith.constant 0 : i32
    %dma_start3A_59 = tpu.memref_slice %arg9[%dma_start3A_47, %dma_start3A_57, %dma_start3A_58] : memref<3x256x128xf32, #tpu.memory_space<vmem>> -> memref<1x256x128xf32, #tpu.memory_space<vmem>>
    %dma_start3A_60 = tpu.memref_squeeze %dma_start3A_59 : memref<1x256x128xf32, #tpu.memory_space<vmem>> -> memref<256x128xf32, #tpu.memory_space<vmem>>
    %dma_start3A_61 = arith.constant 0 : i32
    %dma_start3A_62 = tpu.memref_slice %arg5[%add3A_46, %dma_start3A_61] : memref<65536x128xf32, #tpu.memory_space<hbm>> -> memref<256x128xf32, #tpu.memory_space<hbm>>
    tpu.enqueue_dma source(%dma_start3A_62 : memref<256x128xf32, #tpu.memory_space<hbm>>) target(%dma_start3A_60 : memref<256x128xf32, #tpu.memory_space<vmem>>) target_semaphore(%dma_start3A_56 : memref<!tpu.dma_semaphore, #tpu.memory_space<semaphore_mem>>)
    %dma_wait3A = arith.constant 0 : i32
    %dma_wait3A_63 = arith.constant 0 : i32
    %dma_wait3A_64 = arith.constant 0 : i32
    %dma_wait3A_65 = arith.constant 0 : i32
    %dma_wait3A_66 = tpu.memref_slice %arg9[%dma_wait3A, %dma_wait3A_64, %dma_wait3A_65] : memref<3x256x128xf32, #tpu.memory_space<vmem>> -> memref<1x256x128xf32, #tpu.memory_space<vmem>>
    %dma_wait3A_67 = tpu.memref_squeeze %dma_wait3A_66 : memref<1x256x128xf32, #tpu.memory_space<vmem>> -> memref<256x128xf32, #tpu.memory_space<vmem>>
    %dma_wait3A_68 = arith.constant 0 : i32
    %dma_wait3A_69 = tpu.memref_slice %arg5[%add3A_11, %dma_wait3A_68] : memref<65536x128xf32, #tpu.memory_space<hbm>> -> memref<256x128xf32, #tpu.memory_space<hbm>>
    %dma_wait3A_70 = tpu.memref_slice %arg14[%dma_wait3A_63] : memref<3x!tpu.dma_semaphore, #tpu.memory_space<semaphore_mem>> -> memref<1x!tpu.dma_semaphore, #tpu.memory_space<semaphore_mem>>
    %dma_wait3A_71 = tpu.memref_squeeze %dma_wait3A_70 : memref<1x!tpu.dma_semaphore, #tpu.memory_space<semaphore_mem>> -> memref<!tpu.dma_semaphore, #tpu.memory_space<semaphore_mem>>
    %dma_wait3A_72 = arith.constant 0 : i32
    %dma_wait3A_73 = arith.constant 0 : i32
    %dma_wait3A_74 = tpu.memref_slice %arg9[%dma_wait3A, %dma_wait3A_72, %dma_wait3A_73] : memref<3x256x128xf32, #tpu.memory_space<vmem>> -> memref<1x256x128xf32, #tpu.memory_space<vmem>>
    %dma_wait3A_75 = tpu.memref_squeeze %dma_wait3A_74 : memref<1x256x128xf32, #tpu.memory_space<vmem>> -> memref<256x128xf32, #tpu.memory_space<vmem>>
    %dma_wait3A_76 = arith.constant 0 : i32
    %dma_wait3A_77 = tpu.memref_slice %arg5[%add3A_11, %dma_wait3A_76] : memref<65536x128xf32, #tpu.memory_space<hbm>> -> memref<256x128xf32, #tpu.memory_space<hbm>>
    tpu.wait_dma2 semaphore(%dma_wait3A_71 : memref<!tpu.dma_semaphore, #tpu.memory_space<semaphore_mem>>) src(%dma_wait3A_77 : memref<256x128xf32, #tpu.memory_space<hbm>>) dst(%dma_wait3A_75 : memref<256x128xf32, #tpu.memory_space<vmem>>)
    %add3A_78 = arith.constant 0 : i32
    %add3A_79 = arith.addi %mul3A_9, %add3A_78 : i32
    %dma_start3A_80 = arith.constant 0 : i32
    %dma_start3A_81 = arith.constant 0 : i32
    %dma_start3A_82 = arith.constant 0 : i32
    %dma_start3A_83 = arith.constant 0 : i32
    %dma_start3A_84 = tpu.memref_slice %arg9[%dma_start3A_80, %dma_start3A_82, %dma_start3A_83] : memref<3x256x128xf32, #tpu.memory_space<vmem>> -> memref<1x256x128xf32, #tpu.memory_space<vmem>>
    %dma_start3A_85 = tpu.memref_squeeze %dma_start3A_84 : memref<1x256x128xf32, #tpu.memory_space<vmem>> -> memref<256x128xf32, #tpu.memory_space<vmem>>
    %dma_start3A_86 = arith.constant 0 : i32
    %dma_start3A_87 = tpu.memref_slice %arg7[%add3A_79, %dma_start3A_86] : memref<65536x128xf32, #tpu.memory_space<hbm>> -> memref<256x128xf32, #tpu.memory_space<hbm>>
    %dma_start3A_88 = tpu.memref_slice %arg15[%dma_start3A_81] : memref<3x!tpu.dma_semaphore, #tpu.memory_space<semaphore_mem>> -> memref<1x!tpu.dma_semaphore, #tpu.memory_space<semaphore_mem>>
    %dma_start3A_89 = tpu.memref_squeeze %dma_start3A_88 : memref<1x!tpu.dma_semaphore, #tpu.memory_space<semaphore_mem>> -> memref<!tpu.dma_semaphore, #tpu.memory_space<semaphore_mem>>
    %dma_start3A_90 = arith.constant 0 : i32
    %dma_start3A_91 = tpu.memref_slice %arg7[%add3A_79, %dma_start3A_90] : memref<65536x128xf32, #tpu.memory_space<hbm>> -> memref<256x128xf32, #tpu.memory_space<hbm>>
    %dma_start3A_92 = arith.constant 0 : i32
    %dma_start3A_93 = arith.constant 0 : i32
    %dma_start3A_94 = tpu.memref_slice %arg9[%dma_start3A_80, %dma_start3A_92, %dma_start3A_93] : memref<3x256x128xf32, #tpu.memory_space<vmem>> -> memref<1x256x128xf32, #tpu.memory_space<vmem>>
    %dma_start3A_95 = tpu.memref_squeeze %dma_start3A_94 : memref<1x256x128xf32, #tpu.memory_space<vmem>> -> memref<256x128xf32, #tpu.memory_space<vmem>>
    tpu.enqueue_dma source(%dma_start3A_95 : memref<256x128xf32, #tpu.memory_space<vmem>>) target(%dma_start3A_91 : memref<256x128xf32, #tpu.memory_space<hbm>>) target_semaphore(%dma_start3A_89 : memref<!tpu.dma_semaphore, #tpu.memory_space<semaphore_mem>>)
    %dma_wait3A_96 = arith.constant 1 : i32
    %dma_wait3A_97 = arith.constant 1 : i32
    %dma_wait3A_98 = arith.constant 0 : i32
    %dma_wait3A_99 = arith.constant 0 : i32
    %dma_wait3A_100 = tpu.memref_slice %arg9[%dma_wait3A_96, %dma_wait3A_98, %dma_wait3A_99] : memref<3x256x128xf32, #tpu.memory_space<vmem>> -> memref<1x256x128xf32, #tpu.memory_space<vmem>>
    %dma_wait3A_101 = tpu.memref_squeeze %dma_wait3A_100 : memref<1x256x128xf32, #tpu.memory_space<vmem>> -> memref<256x128xf32, #tpu.memory_space<vmem>>
    %dma_wait3A_102 = arith.constant 0 : i32
    %dma_wait3A_103 = tpu.memref_slice %arg5[%add3A_28, %dma_wait3A_102] : memref<65536x128xf32, #tpu.memory_space<hbm>> -> memref<256x128xf32, #tpu.memory_space<hbm>>
    %dma_wait3A_104 = tpu.memref_slice %arg14[%dma_wait3A_97] : memref<3x!tpu.dma_semaphore, #tpu.memory_space<semaphore_mem>> -> memref<1x!tpu.dma_semaphore, #tpu.memory_space<semaphore_mem>>
    %dma_wait3A_105 = tpu.memref_squeeze %dma_wait3A_104 : memref<1x!tpu.dma_semaphore, #tpu.memory_space<semaphore_mem>> -> memref<!tpu.dma_semaphore, #tpu.memory_space<semaphore_mem>>
    %dma_wait3A_106 = arith.constant 0 : i32
    %dma_wait3A_107 = arith.constant 0 : i32
    %dma_wait3A_108 = tpu.memref_slice %arg9[%dma_wait3A_96, %dma_wait3A_106, %dma_wait3A_107] : memref<3x256x128xf32, #tpu.memory_space<vmem>> -> memref<1x256x128xf32, #tpu.memory_space<vmem>>
    %dma_wait3A_109 = tpu.memref_squeeze %dma_wait3A_108 : memref<1x256x128xf32, #tpu.memory_space<vmem>> -> memref<256x128xf32, #tpu.memory_space<vmem>>
    %dma_wait3A_110 = arith.constant 0 : i32
    %dma_wait3A_111 = tpu.memref_slice %arg5[%add3A_28, %dma_wait3A_110] : memref<65536x128xf32, #tpu.memory_space<hbm>> -> memref<256x128xf32, #tpu.memory_space<hbm>>
    tpu.wait_dma2 semaphore(%dma_wait3A_105 : memref<!tpu.dma_semaphore, #tpu.memory_space<semaphore_mem>>) src(%dma_wait3A_111 : memref<256x128xf32, #tpu.memory_space<hbm>>) dst(%dma_wait3A_109 : memref<256x128xf32, #tpu.memory_space<vmem>>)
    %add3A_112 = arith.constant 256 : i32
    %add3A_113 = arith.addi %mul3A_9, %add3A_112 : i32
    %dma_start3A_114 = arith.constant 1 : i32
    %dma_start3A_115 = arith.constant 1 : i32
    %dma_start3A_116 = arith.constant 0 : i32
    %dma_start3A_117 = arith.constant 0 : i32
    %dma_start3A_118 = tpu.memref_slice %arg9[%dma_start3A_114, %dma_start3A_116, %dma_start3A_117] : memref<3x256x128xf32, #tpu.memory_space<vmem>> -> memref<1x256x128xf32, #tpu.memory_space<vmem>>
    %dma_start3A_119 = tpu.memref_squeeze %dma_start3A_118 : memref<1x256x128xf32, #tpu.memory_space<vmem>> -> memref<256x128xf32, #tpu.memory_space<vmem>>
    %dma_start3A_120 = arith.constant 0 : i32
    %dma_start3A_121 = tpu.memref_slice %arg7[%add3A_113, %dma_start3A_120] : memref<65536x128xf32, #tpu.memory_space<hbm>> -> memref<256x128xf32, #tpu.memory_space<hbm>>
    %dma_start3A_122 = tpu.memref_slice %arg15[%dma_start3A_115] : memref<3x!tpu.dma_semaphore, #tpu.memory_space<semaphore_mem>> -> memref<1x!tpu.dma_semaphore, #tpu.memory_space<semaphore_mem>>
    %dma_start3A_123 = tpu.memref_squeeze %dma_start3A_122 : memref<1x!tpu.dma_semaphore, #tpu.memory_space<semaphore_mem>> -> memref<!tpu.dma_semaphore, #tpu.memory_space<semaphore_mem>>
    %dma_start3A_124 = arith.constant 0 : i32
    %dma_start3A_125 = tpu.memref_slice %arg7[%add3A_113, %dma_start3A_124] : memref<65536x128xf32, #tpu.memory_space<hbm>> -> memref<256x128xf32, #tpu.memory_space<hbm>>
    %dma_start3A_126 = arith.constant 0 : i32
    %dma_start3A_127 = arith.constant 0 : i32
    %dma_start3A_128 = tpu.memref_slice %arg9[%dma_start3A_114, %dma_start3A_126, %dma_start3A_127] : memref<3x256x128xf32, #tpu.memory_space<vmem>> -> memref<1x256x128xf32, #tpu.memory_space<vmem>>
    %dma_start3A_129 = tpu.memref_squeeze %dma_start3A_128 : memref<1x256x128xf32, #tpu.memory_space<vmem>> -> memref<256x128xf32, #tpu.memory_space<vmem>>
    tpu.enqueue_dma source(%dma_start3A_129 : memref<256x128xf32, #tpu.memory_space<vmem>>) target(%dma_start3A_125 : memref<256x128xf32, #tpu.memory_space<hbm>>) target_semaphore(%dma_start3A_123 : memref<!tpu.dma_semaphore, #tpu.memory_space<semaphore_mem>>)
    %dma_wait3A_130 = arith.constant 0 : i32
    %dma_wait3A_131 = arith.constant 0 : i32
    %dma_wait3A_132 = arith.constant 0 : i32
    %dma_wait3A_133 = arith.constant 0 : i32
    %dma_wait3A_134 = tpu.memref_slice %arg9[%dma_wait3A_130, %dma_wait3A_132, %dma_wait3A_133] : memref<3x256x128xf32, #tpu.memory_space<vmem>> -> memref<1x256x128xf32, #tpu.memory_space<vmem>>
    %dma_wait3A_135 = tpu.memref_squeeze %dma_wait3A_134 : memref<1x256x128xf32, #tpu.memory_space<vmem>> -> memref<256x128xf32, #tpu.memory_space<vmem>>
    %dma_wait3A_136 = arith.constant 0 : i32
    %dma_wait3A_137 = tpu.memref_slice %arg7[%add3A_79, %dma_wait3A_136] : memref<65536x128xf32, #tpu.memory_space<hbm>> -> memref<256x128xf32, #tpu.memory_space<hbm>>
    %dma_wait3A_138 = tpu.memref_slice %arg15[%dma_wait3A_131] : memref<3x!tpu.dma_semaphore, #tpu.memory_space<semaphore_mem>> -> memref<1x!tpu.dma_semaphore, #tpu.memory_space<semaphore_mem>>
    %dma_wait3A_139 = tpu.memref_squeeze %dma_wait3A_138 : memref<1x!tpu.dma_semaphore, #tpu.memory_space<semaphore_mem>> -> memref<!tpu.dma_semaphore, #tpu.memory_space<semaphore_mem>>
    %dma_wait3A_140 = arith.constant 0 : i32
    %dma_wait3A_141 = tpu.memref_slice %arg7[%add3A_79, %dma_wait3A_140] : memref<65536x128xf32, #tpu.memory_space<hbm>> -> memref<256x128xf32, #tpu.memory_space<hbm>>
    %dma_wait3A_142 = arith.constant 0 : i32
    %dma_wait3A_143 = arith.constant 0 : i32
    %dma_wait3A_144 = tpu.memref_slice %arg9[%dma_wait3A_130, %dma_wait3A_142, %dma_wait3A_143] : memref<3x256x128xf32, #tpu.memory_space<vmem>> -> memref<1x256x128xf32, #tpu.memory_space<vmem>>
    %dma_wait3A_145 = tpu.memref_squeeze %dma_wait3A_144 : memref<1x256x128xf32, #tpu.memory_space<vmem>> -> memref<256x128xf32, #tpu.memory_space<vmem>>
    tpu.wait_dma2 semaphore(%dma_wait3A_139 : memref<!tpu.dma_semaphore, #tpu.memory_space<semaphore_mem>>) src(%dma_wait3A_145 : memref<256x128xf32, #tpu.memory_space<vmem>>) dst(%dma_wait3A_141 : memref<256x128xf32, #tpu.memory_space<hbm>>)
    %add3A_146 = arith.constant 768 : i32
    %add3A_147 = arith.addi %mul3A_9, %add3A_146 : i32
    %dma_start3A_148 = arith.constant 0 : i32
    %dma_start3A_149 = arith.constant 0 : i32
    %dma_start3A_150 = arith.constant 0 : i32
    %dma_start3A_151 = arith.constant 0 : i32
    %dma_start3A_152 = tpu.memref_slice %arg9[%dma_start3A_148, %dma_start3A_150, %dma_start3A_151] : memref<3x256x128xf32, #tpu.memory_space<vmem>> -> memref<1x256x128xf32, #tpu.memory_space<vmem>>
    %dma_start3A_153 = tpu.memref_squeeze %dma_start3A_152 : memref<1x256x128xf32, #tpu.memory_space<vmem>> -> memref<256x128xf32, #tpu.memory_space<vmem>>
    %dma_start3A_154 = arith.constant 0 : i32
    %dma_start3A_155 = tpu.memref_slice %arg5[%add3A_147, %dma_start3A_154] : memref<65536x128xf32, #tpu.memory_space<hbm>> -> memref<256x128xf32, #tpu.memory_space<hbm>>
    %dma_start3A_156 = tpu.memref_slice %arg14[%dma_start3A_149] : memref<3x!tpu.dma_semaphore, #tpu.memory_space<semaphore_mem>> -> memref<1x!tpu.dma_semaphore, #tpu.memory_space<semaphore_mem>>
    %dma_start3A_157 = tpu.memref_squeeze %dma_start3A_156 : memref<1x!tpu.dma_semaphore, #tpu.memory_space<semaphore_mem>> -> memref<!tpu.dma_semaphore, #tpu.memory_space<semaphore_mem>>
    %dma_start3A_158 = arith.constant 0 : i32
    %dma_start3A_159 = arith.constant 0 : i32
    %dma_start3A_160 = tpu.memref_slice %arg9[%dma_start3A_148, %dma_start3A_158, %dma_start3A_159] : memref<3x256x128xf32, #tpu.memory_space<vmem>> -> memref<1x256x128xf32, #tpu.memory_space<vmem>>
    %dma_start3A_161 = tpu.memref_squeeze %dma_start3A_160 : memref<1x256x128xf32, #tpu.memory_space<vmem>> -> memref<256x128xf32, #tpu.memory_space<vmem>>
    %dma_start3A_162 = arith.constant 0 : i32
    %dma_start3A_163 = tpu.memref_slice %arg5[%add3A_147, %dma_start3A_162] : memref<65536x128xf32, #tpu.memory_space<hbm>> -> memref<256x128xf32, #tpu.memory_space<hbm>>
    tpu.enqueue_dma source(%dma_start3A_163 : memref<256x128xf32, #tpu.memory_space<hbm>>) target(%dma_start3A_161 : memref<256x128xf32, #tpu.memory_space<vmem>>) target_semaphore(%dma_start3A_157 : memref<!tpu.dma_semaphore, #tpu.memory_space<semaphore_mem>>)
    %dma_wait3A_164 = arith.constant 2 : i32
    %dma_wait3A_165 = arith.constant 2 : i32
    %dma_wait3A_166 = arith.constant 0 : i32
    %dma_wait3A_167 = arith.constant 0 : i32
    %dma_wait3A_168 = tpu.memref_slice %arg9[%dma_wait3A_164, %dma_wait3A_166, %dma_wait3A_167] : memref<3x256x128xf32, #tpu.memory_space<vmem>> -> memref<1x256x128xf32, #tpu.memory_space<vmem>>
    %dma_wait3A_169 = tpu.memref_squeeze %dma_wait3A_168 : memref<1x256x128xf32, #tpu.memory_space<vmem>> -> memref<256x128xf32, #tpu.memory_space<vmem>>
    %dma_wait3A_170 = arith.constant 0 : i32
    %dma_wait3A_171 = tpu.memref_slice %arg5[%add3A_46, %dma_wait3A_170] : memref<65536x128xf32, #tpu.memory_space<hbm>> -> memref<256x128xf32, #tpu.memory_space<hbm>>
    %dma_wait3A_172 = tpu.memref_slice %arg14[%dma_wait3A_165] : memref<3x!tpu.dma_semaphore, #tpu.memory_space<semaphore_mem>> -> memref<1x!tpu.dma_semaphore, #tpu.memory_space<semaphore_mem>>
    %dma_wait3A_173 = tpu.memref_squeeze %dma_wait3A_172 : memref<1x!tpu.dma_semaphore, #tpu.memory_space<semaphore_mem>> -> memref<!tpu.dma_semaphore, #tpu.memory_space<semaphore_mem>>
    %dma_wait3A_174 = arith.constant 0 : i32
    %dma_wait3A_175 = arith.constant 0 : i32
    %dma_wait3A_176 = tpu.memref_slice %arg9[%dma_wait3A_164, %dma_wait3A_174, %dma_wait3A_175] : memref<3x256x128xf32, #tpu.memory_space<vmem>> -> memref<1x256x128xf32, #tpu.memory_space<vmem>>
    %dma_wait3A_177 = tpu.memref_squeeze %dma_wait3A_176 : memref<1x256x128xf32, #tpu.memory_space<vmem>> -> memref<256x128xf32, #tpu.memory_space<vmem>>
    %dma_wait3A_178 = arith.constant 0 : i32
    %dma_wait3A_179 = tpu.memref_slice %arg5[%add3A_46, %dma_wait3A_178] : memref<65536x128xf32, #tpu.memory_space<hbm>> -> memref<256x128xf32, #tpu.memory_space<hbm>>
    tpu.wait_dma2 semaphore(%dma_wait3A_173 : memref<!tpu.dma_semaphore, #tpu.memory_space<semaphore_mem>>) src(%dma_wait3A_179 : memref<256x128xf32, #tpu.memory_space<hbm>>) dst(%dma_wait3A_177 : memref<256x128xf32, #tpu.memory_space<vmem>>)
    %add3A_180 = arith.constant 512 : i32
    %add3A_181 = arith.addi %mul3A_9, %add3A_180 : i32
    %dma_start3A_182 = arith.constant 2 : i32
    %dma_start3A_183 = arith.constant 2 : i32
    %dma_start3A_184 = arith.constant 0 : i32
    %dma_start3A_185 = arith.constant 0 : i32
    %dma_start3A_186 = tpu.memref_slice %arg9[%dma_start3A_182, %dma_start3A_184, %dma_start3A_185] : memref<3x256x128xf32, #tpu.memory_space<vmem>> -> memref<1x256x128xf32, #tpu.memory_space<vmem>>
    %dma_start3A_187 = tpu.memref_squeeze %dma_start3A_186 : memref<1x256x128xf32, #tpu.memory_space<vmem>> -> memref<256x128xf32, #tpu.memory_space<vmem>>
    %dma_start3A_188 = arith.constant 0 : i32
    %dma_start3A_189 = tpu.memref_slice %arg7[%add3A_181, %dma_start3A_188] : memref<65536x128xf32, #tpu.memory_space<hbm>> -> memref<256x128xf32, #tpu.memory_space<hbm>>
    %dma_start3A_190 = tpu.memref_slice %arg15[%dma_start3A_183] : memref<3x!tpu.dma_semaphore, #tpu.memory_space<semaphore_mem>> -> memref<1x!tpu.dma_semaphore, #tpu.memory_space<semaphore_mem>>
    %dma_start3A_191 = tpu.memref_squeeze %dma_start3A_190 : memref<1x!tpu.dma_semaphore, #tpu.memory_space<semaphore_mem>> -> memref<!tpu.dma_semaphore, #tpu.memory_space<semaphore_mem>>
    %dma_start3A_192 = arith.constant 0 : i32
    %dma_start3A_193 = tpu.memref_slice %arg7[%add3A_181, %dma_start3A_192] : memref<65536x128xf32, #tpu.memory_space<hbm>> -> memref<256x128xf32, #tpu.memory_space<hbm>>
    %dma_start3A_194 = arith.constant 0 : i32
    %dma_start3A_195 = arith.constant 0 : i32
    %dma_start3A_196 = tpu.memref_slice %arg9[%dma_start3A_182, %dma_start3A_194, %dma_start3A_195] : memref<3x256x128xf32, #tpu.memory_space<vmem>> -> memref<1x256x128xf32, #tpu.memory_space<vmem>>
    %dma_start3A_197 = tpu.memref_squeeze %dma_start3A_196 : memref<1x256x128xf32, #tpu.memory_space<vmem>> -> memref<256x128xf32, #tpu.memory_space<vmem>>
    tpu.enqueue_dma source(%dma_start3A_197 : memref<256x128xf32, #tpu.memory_space<vmem>>) target(%dma_start3A_193 : memref<256x128xf32, #tpu.memory_space<hbm>>) target_semaphore(%dma_start3A_191 : memref<!tpu.dma_semaphore, #tpu.memory_space<semaphore_mem>>)
    %dma_wait3A_198 = arith.constant 1 : i32
    %dma_wait3A_199 = arith.constant 1 : i32
    %dma_wait3A_200 = arith.constant 0 : i32
    %dma_wait3A_201 = arith.constant 0 : i32
    %dma_wait3A_202 = tpu.memref_slice %arg9[%dma_wait3A_198, %dma_wait3A_200, %dma_wait3A_201] : memref<3x256x128xf32, #tpu.memory_space<vmem>> -> memref<1x256x128xf32, #tpu.memory_space<vmem>>
    %dma_wait3A_203 = tpu.memref_squeeze %dma_wait3A_202 : memref<1x256x128xf32, #tpu.memory_space<vmem>> -> memref<256x128xf32, #tpu.memory_space<vmem>>
    %dma_wait3A_204 = arith.constant 0 : i32
    %dma_wait3A_205 = tpu.memref_slice %arg7[%add3A_113, %dma_wait3A_204] : memref<65536x128xf32, #tpu.memory_space<hbm>> -> memref<256x128xf32, #tpu.memory_space<hbm>>
    %dma_wait3A_206 = tpu.memref_slice %arg15[%dma_wait3A_199] : memref<3x!tpu.dma_semaphore, #tpu.memory_space<semaphore_mem>> -> memref<1x!tpu.dma_semaphore, #tpu.memory_space<semaphore_mem>>
    %dma_wait3A_207 = tpu.memref_squeeze %dma_wait3A_206 : memref<1x!tpu.dma_semaphore, #tpu.memory_space<semaphore_mem>> -> memref<!tpu.dma_semaphore, #tpu.memory_space<semaphore_mem>>
    %dma_wait3A_208 = arith.constant 0 : i32
    %dma_wait3A_209 = tpu.memref_slice %arg7[%add3A_113, %dma_wait3A_208] : memref<65536x128xf32, #tpu.memory_space<hbm>> -> memref<256x128xf32, #tpu.memory_space<hbm>>
    %dma_wait3A_210 = arith.constant 0 : i32
    %dma_wait3A_211 = arith.constant 0 : i32
    %dma_wait3A_212 = tpu.memref_slice %arg9[%dma_wait3A_198, %dma_wait3A_210, %dma_wait3A_211] : memref<3x256x128xf32, #tpu.memory_space<vmem>> -> memref<1x256x128xf32, #tpu.memory_space<vmem>>
    %dma_wait3A_213 = tpu.memref_squeeze %dma_wait3A_212 : memref<1x256x128xf32, #tpu.memory_space<vmem>> -> memref<256x128xf32, #tpu.memory_space<vmem>>
    tpu.wait_dma2 semaphore(%dma_wait3A_207 : memref<!tpu.dma_semaphore, #tpu.memory_space<semaphore_mem>>) src(%dma_wait3A_213 : memref<256x128xf32, #tpu.memory_space<vmem>>) dst(%dma_wait3A_209 : memref<256x128xf32, #tpu.memory_space<hbm>>)
    %add3A_214 = arith.constant 1024 : i32
    %add3A_215 = arith.addi %mul3A_9, %add3A_214 : i32
    %dma_start3A_216 = arith.constant 1 : i32
    %dma_start3A_217 = arith.constant 1 : i32
    %dma_start3A_218 = arith.constant 0 : i32
    %dma_start3A_219 = arith.constant 0 : i32
    %dma_start3A_220 = tpu.memref_slice %arg9[%dma_start3A_216, %dma_start3A_218, %dma_start3A_219] : memref<3x256x128xf32, #tpu.memory_space<vmem>> -> memref<1x256x128xf32, #tpu.memory_space<vmem>>
    %dma_start3A_221 = tpu.memref_squeeze %dma_start3A_220 : memref<1x256x128xf32, #tpu.memory_space<vmem>> -> memref<256x128xf32, #tpu.memory_space<vmem>>
    %dma_start3A_222 = arith.constant 0 : i32
    %dma_start3A_223 = tpu.memref_slice %arg5[%add3A_215, %dma_start3A_222] : memref<65536x128xf32, #tpu.memory_space<hbm>> -> memref<256x128xf32, #tpu.memory_space<hbm>>
    %dma_start3A_224 = tpu.memref_slice %arg14[%dma_start3A_217] : memref<3x!tpu.dma_semaphore, #tpu.memory_space<semaphore_mem>> -> memref<1x!tpu.dma_semaphore, #tpu.memory_space<semaphore_mem>>
    %dma_start3A_225 = tpu.memref_squeeze %dma_start3A_224 : memref<1x!tpu.dma_semaphore, #tpu.memory_space<semaphore_mem>> -> memref<!tpu.dma_semaphore, #tpu.memory_space<semaphore_mem>>
    %dma_start3A_226 = arith.constant 0 : i32
    %dma_start3A_227 = arith.constant 0 : i32
    %dma_start3A_228 = tpu.memref_slice %arg9[%dma_start3A_216, %dma_start3A_226, %dma_start3A_227] : memref<3x256x128xf32, #tpu.memory_space<vmem>> -> memref<1x256x128xf32, #tpu.memory_space<vmem>>
    %dma_start3A_229 = tpu.memref_squeeze %dma_start3A_228 : memref<1x256x128xf32, #tpu.memory_space<vmem>> -> memref<256x128xf32, #tpu.memory_space<vmem>>
    %dma_start3A_230 = arith.constant 0 : i32
    %dma_start3A_231 = tpu.memref_slice %arg5[%add3A_215, %dma_start3A_230] : memref<65536x128xf32, #tpu.memory_space<hbm>> -> memref<256x128xf32, #tpu.memory_space<hbm>>
    tpu.enqueue_dma source(%dma_start3A_231 : memref<256x128xf32, #tpu.memory_space<hbm>>) target(%dma_start3A_229 : memref<256x128xf32, #tpu.memory_space<vmem>>) target_semaphore(%dma_start3A_225 : memref<!tpu.dma_semaphore, #tpu.memory_space<semaphore_mem>>)
    %dma_wait3A_232 = arith.constant 0 : i32
    %dma_wait3A_233 = arith.constant 0 : i32
    %dma_wait3A_234 = arith.constant 0 : i32
    %dma_wait3A_235 = arith.constant 0 : i32
    %dma_wait3A_236 = tpu.memref_slice %arg9[%dma_wait3A_232, %dma_wait3A_234, %dma_wait3A_235] : memref<3x256x128xf32, #tpu.memory_space<vmem>> -> memref<1x256x128xf32, #tpu.memory_space<vmem>>
    %dma_wait3A_237 = tpu.memref_squeeze %dma_wait3A_236 : memref<1x256x128xf32, #tpu.memory_space<vmem>> -> memref<256x128xf32, #tpu.memory_space<vmem>>
    %dma_wait3A_238 = arith.constant 0 : i32
    %dma_wait3A_239 = tpu.memref_slice %arg5[%add3A_147, %dma_wait3A_238] : memref<65536x128xf32, #tpu.memory_space<hbm>> -> memref<256x128xf32, #tpu.memory_space<hbm>>
    %dma_wait3A_240 = tpu.memref_slice %arg14[%dma_wait3A_233] : memref<3x!tpu.dma_semaphore, #tpu.memory_space<semaphore_mem>> -> memref<1x!tpu.dma_semaphore, #tpu.memory_space<semaphore_mem>>
    %dma_wait3A_241 = tpu.memref_squeeze %dma_wait3A_240 : memref<1x!tpu.dma_semaphore, #tpu.memory_space<semaphore_mem>> -> memref<!tpu.dma_semaphore, #tpu.memory_space<semaphore_mem>>
    %dma_wait3A_242 = arith.constant 0 : i32
    %dma_wait3A_243 = arith.constant 0 : i32
    %dma_wait3A_244 = tpu.memref_slice %arg9[%dma_wait3A_232, %dma_wait3A_242, %dma_wait3A_243] : memref<3x256x128xf32, #tpu.memory_space<vmem>> -> memref<1x256x128xf32, #tpu.memory_space<vmem>>
    %dma_wait3A_245 = tpu.memref_squeeze %dma_wait3A_244 : memref<1x256x128xf32, #tpu.memory_space<vmem>> -> memref<256x128xf32, #tpu.memory_space<vmem>>
    %dma_wait3A_246 = arith.constant 0 : i32
    %dma_wait3A_247 = tpu.memref_slice %arg5[%add3A_147, %dma_wait3A_246] : memref<65536x128xf32, #tpu.memory_space<hbm>> -> memref<256x128xf32, #tpu.memory_space<hbm>>
    tpu.wait_dma2 semaphore(%dma_wait3A_241 : memref<!tpu.dma_semaphore, #tpu.memory_space<semaphore_mem>>) src(%dma_wait3A_247 : memref<256x128xf32, #tpu.memory_space<hbm>>) dst(%dma_wait3A_245 : memref<256x128xf32, #tpu.memory_space<vmem>>)
    %add3A_248 = arith.constant 768 : i32
    %add3A_249 = arith.addi %mul3A_9, %add3A_248 : i32
    %dma_start3A_250 = arith.constant 0 : i32
    %dma_start3A_251 = arith.constant 0 : i32
    %dma_start3A_252 = arith.constant 0 : i32
    %dma_start3A_253 = arith.constant 0 : i32
    %dma_start3A_254 = tpu.memref_slice %arg9[%dma_start3A_250, %dma_start3A_252, %dma_start3A_253] : memref<3x256x128xf32, #tpu.memory_space<vmem>> -> memref<1x256x128xf32, #tpu.memory_space<vmem>>
    %dma_start3A_255 = tpu.memref_squeeze %dma_start3A_254 : memref<1x256x128xf32, #tpu.memory_space<vmem>> -> memref<256x128xf32, #tpu.memory_space<vmem>>
    %dma_start3A_256 = arith.constant 0 : i32
    %dma_start3A_257 = tpu.memref_slice %arg7[%add3A_249, %dma_start3A_256] : memref<65536x128xf32, #tpu.memory_space<hbm>> -> memref<256x128xf32, #tpu.memory_space<hbm>>
    %dma_start3A_258 = tpu.memref_slice %arg15[%dma_start3A_251] : memref<3x!tpu.dma_semaphore, #tpu.memory_space<semaphore_mem>> -> memref<1x!tpu.dma_semaphore, #tpu.memory_space<semaphore_mem>>
    %dma_start3A_259 = tpu.memref_squeeze %dma_start3A_258 : memref<1x!tpu.dma_semaphore, #tpu.memory_space<semaphore_mem>> -> memref<!tpu.dma_semaphore, #tpu.memory_space<semaphore_mem>>
    %dma_start3A_260 = arith.constant 0 : i32
    %dma_start3A_261 = tpu.memref_slice %arg7[%add3A_249, %dma_start3A_260] : memref<65536x128xf32, #tpu.memory_space<hbm>> -> memref<256x128xf32, #tpu.memory_space<hbm>>
    %dma_start3A_262 = arith.constant 0 : i32
    %dma_start3A_263 = arith.constant 0 : i32
    %dma_start3A_264 = tpu.memref_slice %arg9[%dma_start3A_250, %dma_start3A_262, %dma_start3A_263] : memref<3x256x128xf32, #tpu.memory_space<vmem>> -> memref<1x256x128xf32, #tpu.memory_space<vmem>>
    %dma_start3A_265 = tpu.memref_squeeze %dma_start3A_264 : memref<1x256x128xf32, #tpu.memory_space<vmem>> -> memref<256x128xf32, #tpu.memory_space<vmem>>
    tpu.enqueue_dma source(%dma_start3A_265 : memref<256x128xf32, #tpu.memory_space<vmem>>) target(%dma_start3A_261 : memref<256x128xf32, #tpu.memory_space<hbm>>) target_semaphore(%dma_start3A_259 : memref<!tpu.dma_semaphore, #tpu.memory_space<semaphore_mem>>)
    %dma_wait3A_266 = arith.constant 2 : i32
    %dma_wait3A_267 = arith.constant 2 : i32
    %dma_wait3A_268 = arith.constant 0 : i32
    %dma_wait3A_269 = arith.constant 0 : i32
    %dma_wait3A_270 = tpu.memref_slice %arg9[%dma_wait3A_266, %dma_wait3A_268, %dma_wait3A_269] : memref<3x256x128xf32, #tpu.memory_space<vmem>> -> memref<1x256x128xf32, #tpu.memory_space<vmem>>
    %dma_wait3A_271 = tpu.memref_squeeze %dma_wait3A_270 : memref<1x256x128xf32, #tpu.memory_space<vmem>> -> memref<256x128xf32, #tpu.memory_space<vmem>>
    %dma_wait3A_272 = arith.constant 0 : i32
    %dma_wait3A_273 = tpu.memref_slice %arg7[%add3A_181, %dma_wait3A_272] : memref<65536x128xf32, #tpu.memory_space<hbm>> -> memref<256x128xf32, #tpu.memory_space<hbm>>
    %dma_wait3A_274 = tpu.memref_slice %arg15[%dma_wait3A_267] : memref<3x!tpu.dma_semaphore, #tpu.memory_space<semaphore_mem>> -> memref<1x!tpu.dma_semaphore, #tpu.memory_space<semaphore_mem>>
    %dma_wait3A_275 = tpu.memref_squeeze %dma_wait3A_274 : memref<1x!tpu.dma_semaphore, #tpu.memory_space<semaphore_mem>> -> memref<!tpu.dma_semaphore, #tpu.memory_space<semaphore_mem>>
    %dma_wait3A_276 = arith.constant 0 : i32
    %dma_wait3A_277 = tpu.memref_slice %arg7[%add3A_181, %dma_wait3A_276] : memref<65536x128xf32, #tpu.memory_space<hbm>> -> memref<256x128xf32, #tpu.memory_space<hbm>>
    %dma_wait3A_278 = arith.constant 0 : i32
    %dma_wait3A_279 = arith.constant 0 : i32
    %dma_wait3A_280 = tpu.memref_slice %arg9[%dma_wait3A_266, %dma_wait3A_278, %dma_wait3A_279] : memref<3x256x128xf32, #tpu.memory_space<vmem>> -> memref<1x256x128xf32, #tpu.memory_space<vmem>>
    %dma_wait3A_281 = tpu.memref_squeeze %dma_wait3A_280 : memref<1x256x128xf32, #tpu.memory_space<vmem>> -> memref<256x128xf32, #tpu.memory_space<vmem>>
    tpu.wait_dma2 semaphore(%dma_wait3A_275 : memref<!tpu.dma_semaphore, #tpu.memory_space<semaphore_mem>>) src(%dma_wait3A_281 : memref<256x128xf32, #tpu.memory_space<vmem>>) dst(%dma_wait3A_277 : memref<256x128xf32, #tpu.memory_space<hbm>>)
    %add3A_282 = arith.constant 1280 : i32
    %add3A_283 = arith.addi %mul3A_9, %add3A_282 : i32
    %dma_start3A_284 = arith.constant 2 : i32
    %dma_start3A_285 = arith.constant 2 : i32
    %dma_start3A_286 = arith.constant 0 : i32
    %dma_start3A_287 = arith.constant 0 : i32
    %dma_start3A_288 = tpu.memref_slice %arg9[%dma_start3A_284, %dma_start3A_286, %dma_start3A_287] : memref<3x256x128xf32, #tpu.memory_space<vmem>> -> memref<1x256x128xf32, #tpu.memory_space<vmem>>
    %dma_start3A_289 = tpu.memref_squeeze %dma_start3A_288 : memref<1x256x128xf32, #tpu.memory_space<vmem>> -> memref<256x128xf32, #tpu.memory_space<vmem>>
    %dma_start3A_290 = arith.constant 0 : i32
    %dma_start3A_291 = tpu.memref_slice %arg5[%add3A_283, %dma_start3A_290] : memref<65536x128xf32, #tpu.memory_space<hbm>> -> memref<256x128xf32, #tpu.memory_space<hbm>>
    %dma_start3A_292 = tpu.memref_slice %arg14[%dma_start3A_285] : memref<3x!tpu.dma_semaphore, #tpu.memory_space<semaphore_mem>> -> memref<1x!tpu.dma_semaphore, #tpu.memory_space<semaphore_mem>>
    %dma_start3A_293 = tpu.memref_squeeze %dma_start3A_292 : memref<1x!tpu.dma_semaphore, #tpu.memory_space<semaphore_mem>> -> memref<!tpu.dma_semaphore, #tpu.memory_space<semaphore_mem>>
    %dma_start3A_294 = arith.constant 0 : i32
    %dma_start3A_295 = arith.constant 0 : i32
    %dma_start3A_296 = tpu.memref_slice %arg9[%dma_start3A_284, %dma_start3A_294, %dma_start3A_295] : memref<3x256x128xf32, #tpu.memory_space<vmem>> -> memref<1x256x128xf32, #tpu.memory_space<vmem>>
    %dma_start3A_297 = tpu.memref_squeeze %dma_start3A_296 : memref<1x256x128xf32, #tpu.memory_space<vmem>> -> memref<256x128xf32, #tpu.memory_space<vmem>>
    %dma_start3A_298 = arith.constant 0 : i32
    %dma_start3A_299 = tpu.memref_slice %arg5[%add3A_283, %dma_start3A_298] : memref<65536x128xf32, #tpu.memory_space<hbm>> -> memref<256x128xf32, #tpu.memory_space<hbm>>
    tpu.enqueue_dma source(%dma_start3A_299 : memref<256x128xf32, #tpu.memory_space<hbm>>) target(%dma_start3A_297 : memref<256x128xf32, #tpu.memory_space<vmem>>) target_semaphore(%dma_start3A_293 : memref<!tpu.dma_semaphore, #tpu.memory_space<semaphore_mem>>)
    %dma_wait3A_300 = arith.constant 1 : i32
    %dma_wait3A_301 = arith.constant 1 : i32
    %dma_wait3A_302 = arith.constant 0 : i32
    %dma_wait3A_303 = arith.constant 0 : i32
    %dma_wait3A_304 = tpu.memref_slice %arg9[%dma_wait3A_300, %dma_wait3A_302, %dma_wait3A_303] : memref<3x256x128xf32, #tpu.memory_space<vmem>> -> memref<1x256x128xf32, #tpu.memory_space<vmem>>
    %dma_wait3A_305 = tpu.memref_squeeze %dma_wait3A_304 : memref<1x256x128xf32, #tpu.memory_space<vmem>> -> memref<256x128xf32, #tpu.memory_space<vmem>>
    %dma_wait3A_306 = arith.constant 0 : i32
    %dma_wait3A_307 = tpu.memref_slice %arg5[%add3A_215, %dma_wait3A_306] : memref<65536x128xf32, #tpu.memory_space<hbm>> -> memref<256x128xf32, #tpu.memory_space<hbm>>
    %dma_wait3A_308 = tpu.memref_slice %arg14[%dma_wait3A_301] : memref<3x!tpu.dma_semaphore, #tpu.memory_space<semaphore_mem>> -> memref<1x!tpu.dma_semaphore, #tpu.memory_space<semaphore_mem>>
    %dma_wait3A_309 = tpu.memref_squeeze %dma_wait3A_308 : memref<1x!tpu.dma_semaphore, #tpu.memory_space<semaphore_mem>> -> memref<!tpu.dma_semaphore, #tpu.memory_space<semaphore_mem>>
    %dma_wait3A_310 = arith.constant 0 : i32
    %dma_wait3A_311 = arith.constant 0 : i32
    %dma_wait3A_312 = tpu.memref_slice %arg9[%dma_wait3A_300, %dma_wait3A_310, %dma_wait3A_311] : memref<3x256x128xf32, #tpu.memory_space<vmem>> -> memref<1x256x128xf32, #tpu.memory_space<vmem>>
    %dma_wait3A_313 = tpu.memref_squeeze %dma_wait3A_312 : memref<1x256x128xf32, #tpu.memory_space<vmem>> -> memref<256x128xf32, #tpu.memory_space<vmem>>
    %dma_wait3A_314 = arith.constant 0 : i32
    %dma_wait3A_315 = tpu.memref_slice %arg5[%add3A_215, %dma_wait3A_314] : memref<65536x128xf32, #tpu.memory_space<hbm>> -> memref<256x128xf32, #tpu.memory_space<hbm>>
    tpu.wait_dma2 semaphore(%dma_wait3A_309 : memref<!tpu.dma_semaphore, #tpu.memory_space<semaphore_mem>>) src(%dma_wait3A_315 : memref<256x128xf32, #tpu.memory_space<hbm>>) dst(%dma_wait3A_313 : memref<256x128xf32, #tpu.memory_space<vmem>>)
    %add3A_316 = arith.constant 1024 : i32
    %add3A_317 = arith.addi %mul3A_9, %add3A_316 : i32
    %dma_start3A_318 = arith.constant 1 : i32
    %dma_start3A_319 = arith.constant 1 : i32
    %dma_start3A_320 = arith.constant 0 : i32
    %dma_start3A_321 = arith.constant 0 : i32
    %dma_start3A_322 = tpu.memref_slice %arg9[%dma_start3A_318, %dma_start3A_320, %dma_start3A_321] : memref<3x256x128xf32, #tpu.memory_space<vmem>> -> memref<1x256x128xf32, #tpu.memory_space<vmem>>
    %dma_start3A_323 = tpu.memref_squeeze %dma_start3A_322 : memref<1x256x128xf32, #tpu.memory_space<vmem>> -> memref<256x128xf32, #tpu.memory_space<vmem>>
    %dma_start3A_324 = arith.constant 0 : i32
    %dma_start3A_325 = tpu.memref_slice %arg7[%add3A_317, %dma_start3A_324] : memref<65536x128xf32, #tpu.memory_space<hbm>> -> memref<256x128xf32, #tpu.memory_space<hbm>>
    %dma_start3A_326 = tpu.memref_slice %arg15[%dma_start3A_319] : memref<3x!tpu.dma_semaphore, #tpu.memory_space<semaphore_mem>> -> memref<1x!tpu.dma_semaphore, #tpu.memory_space<semaphore_mem>>
    %dma_start3A_327 = tpu.memref_squeeze %dma_start3A_326 : memref<1x!tpu.dma_semaphore, #tpu.memory_space<semaphore_mem>> -> memref<!tpu.dma_semaphore, #tpu.memory_space<semaphore_mem>>
    %dma_start3A_328 = arith.constant 0 : i32
    %dma_start3A_329 = tpu.memref_slice %arg7[%add3A_317, %dma_start3A_328] : memref<65536x128xf32, #tpu.memory_space<hbm>> -> memref<256x128xf32, #tpu.memory_space<hbm>>
    %dma_start3A_330 = arith.constant 0 : i32
    %dma_start3A_331 = arith.constant 0 : i32
    %dma_start3A_332 = tpu.memref_slice %arg9[%dma_start3A_318, %dma_start3A_330, %dma_start3A_331] : memref<3x256x128xf32, #tpu.memory_space<vmem>> -> memref<1x256x128xf32, #tpu.memory_space<vmem>>
    %dma_start3A_333 = tpu.memref_squeeze %dma_start3A_332 : memref<1x256x128xf32, #tpu.memory_space<vmem>> -> memref<256x128xf32, #tpu.memory_space<vmem>>
    tpu.enqueue_dma source(%dma_start3A_333 : memref<256x128xf32, #tpu.memory_space<vmem>>) target(%dma_start3A_329 : memref<256x128xf32, #tpu.memory_space<hbm>>) target_semaphore(%dma_start3A_327 : memref<!tpu.dma_semaphore, #tpu.memory_space<semaphore_mem>>)
    %dma_wait3A_334 = arith.constant 0 : i32
    %dma_wait3A_335 = arith.constant 0 : i32
    %dma_wait3A_336 = arith.constant 0 : i32
    %dma_wait3A_337 = arith.constant 0 : i32
    %dma_wait3A_338 = tpu.memref_slice %arg9[%dma_wait3A_334, %dma_wait3A_336, %dma_wait3A_337] : memref<3x256x128xf32, #tpu.memory_space<vmem>> -> memref<1x256x128xf32, #tpu.memory_space<vmem>>
    %dma_wait3A_339 = tpu.memref_squeeze %dma_wait3A_338 : memref<1x256x128xf32, #tpu.memory_space<vmem>> -> memref<256x128xf32, #tpu.memory_space<vmem>>
    %dma_wait3A_340 = arith.constant 0 : i32
    %dma_wait3A_341 = tpu.memref_slice %arg7[%add3A_249, %dma_wait3A_340] : memref<65536x128xf32, #tpu.memory_space<hbm>> -> memref<256x128xf32, #tpu.memory_space<hbm>>
    %dma_wait3A_342 = tpu.memref_slice %arg15[%dma_wait3A_335] : memref<3x!tpu.dma_semaphore, #tpu.memory_space<semaphore_mem>> -> memref<1x!tpu.dma_semaphore, #tpu.memory_space<semaphore_mem>>
    %dma_wait3A_343 = tpu.memref_squeeze %dma_wait3A_342 : memref<1x!tpu.dma_semaphore, #tpu.memory_space<semaphore_mem>> -> memref<!tpu.dma_semaphore, #tpu.memory_space<semaphore_mem>>
    %dma_wait3A_344 = arith.constant 0 : i32
    %dma_wait3A_345 = tpu.memref_slice %arg7[%add3A_249, %dma_wait3A_344] : memref<65536x128xf32, #tpu.memory_space<hbm>> -> memref<256x128xf32, #tpu.memory_space<hbm>>
    %dma_wait3A_346 = arith.constant 0 : i32
    %dma_wait3A_347 = arith.constant 0 : i32
    %dma_wait3A_348 = tpu.memref_slice %arg9[%dma_wait3A_334, %dma_wait3A_346, %dma_wait3A_347] : memref<3x256x128xf32, #tpu.memory_space<vmem>> -> memref<1x256x128xf32, #tpu.memory_space<vmem>>
    %dma_wait3A_349 = tpu.memref_squeeze %dma_wait3A_348 : memref<1x256x128xf32, #tpu.memory_space<vmem>> -> memref<256x128xf32, #tpu.memory_space<vmem>>
    tpu.wait_dma2 semaphore(%dma_wait3A_343 : memref<!tpu.dma_semaphore, #tpu.memory_space<semaphore_mem>>) src(%dma_wait3A_349 : memref<256x128xf32, #tpu.memory_space<vmem>>) dst(%dma_wait3A_345 : memref<256x128xf32, #tpu.memory_space<hbm>>)
    %add3A_350 = arith.constant 1536 : i32
    %add3A_351 = arith.addi %mul3A_9, %add3A_350 : i32
    %dma_start3A_352 = arith.constant 0 : i32
    %dma_start3A_353 = arith.constant 0 : i32
    %dma_start3A_354 = arith.constant 0 : i32
    %dma_start3A_355 = arith.constant 0 : i32
    %dma_start3A_356 = tpu.memref_slice %arg9[%dma_start3A_352, %dma_start3A_354, %dma_start3A_355] : memref<3x256x128xf32, #tpu.memory_space<vmem>> -> memref<1x256x128xf32, #tpu.memory_space<vmem>>
    %dma_start3A_357 = tpu.memref_squeeze %dma_start3A_356 : memref<1x256x128xf32, #tpu.memory_space<vmem>> -> memref<256x128xf32, #tpu.memory_space<vmem>>
    %dma_start3A_358 = arith.constant 0 : i32
    %dma_start3A_359 = tpu.memref_slice %arg5[%add3A_351, %dma_start3A_358] : memref<65536x128xf32, #tpu.memory_space<hbm>> -> memref<256x128xf32, #tpu.memory_space<hbm>>
    %dma_start3A_360 = tpu.memref_slice %arg14[%dma_start3A_353] : memref<3x!tpu.dma_semaphore, #tpu.memory_space<semaphore_mem>> -> memref<1x!tpu.dma_semaphore, #tpu.memory_space<semaphore_mem>>
    %dma_start3A_361 = tpu.memref_squeeze %dma_start3A_360 : memref<1x!tpu.dma_semaphore, #tpu.memory_space<semaphore_mem>> -> memref<!tpu.dma_semaphore, #tpu.memory_space<semaphore_mem>>
    %dma_start3A_362 = arith.constant 0 : i32
    %dma_start3A_363 = arith.constant 0 : i32
    %dma_start3A_364 = tpu.memref_slice %arg9[%dma_start3A_352, %dma_start3A_362, %dma_start3A_363] : memref<3x256x128xf32, #tpu.memory_space<vmem>> -> memref<1x256x128xf32, #tpu.memory_space<vmem>>
    %dma_start3A_365 = tpu.memref_squeeze %dma_start3A_364 : memref<1x256x128xf32, #tpu.memory_space<vmem>> -> memref<256x128xf32, #tpu.memory_space<vmem>>
    %dma_start3A_366 = arith.constant 0 : i32
    %dma_start3A_367 = tpu.memref_slice %arg5[%add3A_351, %dma_start3A_366] : memref<65536x128xf32, #tpu.memory_space<hbm>> -> memref<256x128xf32, #tpu.memory_space<hbm>>
    tpu.enqueue_dma source(%dma_start3A_367 : memref<256x128xf32, #tpu.memory_space<hbm>>) target(%dma_start3A_365 : memref<256x128xf32, #tpu.memory_space<vmem>>) target_semaphore(%dma_start3A_361 : memref<!tpu.dma_semaphore, #tpu.memory_space<semaphore_mem>>)
    %dma_wait3A_368 = arith.constant 2 : i32
    %dma_wait3A_369 = arith.constant 2 : i32
    %dma_wait3A_370 = arith.constant 0 : i32
    %dma_wait3A_371 = arith.constant 0 : i32
    %dma_wait3A_372 = tpu.memref_slice %arg9[%dma_wait3A_368, %dma_wait3A_370, %dma_wait3A_371] : memref<3x256x128xf32, #tpu.memory_space<vmem>> -> memref<1x256x128xf32, #tpu.memory_space<vmem>>
    %dma_wait3A_373 = tpu.memref_squeeze %dma_wait3A_372 : memref<1x256x128xf32, #tpu.memory_space<vmem>> -> memref<256x128xf32, #tpu.memory_space<vmem>>
    %dma_wait3A_374 = arith.constant 0 : i32
    %dma_wait3A_375 = tpu.memref_slice %arg5[%add3A_283, %dma_wait3A_374] : memref<65536x128xf32, #tpu.memory_space<hbm>> -> memref<256x128xf32, #tpu.memory_space<hbm>>
    %dma_wait3A_376 = tpu.memref_slice %arg14[%dma_wait3A_369] : memref<3x!tpu.dma_semaphore, #tpu.memory_space<semaphore_mem>> -> memref<1x!tpu.dma_semaphore, #tpu.memory_space<semaphore_mem>>
    %dma_wait3A_377 = tpu.memref_squeeze %dma_wait3A_376 : memref<1x!tpu.dma_semaphore, #tpu.memory_space<semaphore_mem>> -> memref<!tpu.dma_semaphore, #tpu.memory_space<semaphore_mem>>
    %dma_wait3A_378 = arith.constant 0 : i32
    %dma_wait3A_379 = arith.constant 0 : i32
    %dma_wait3A_380 = tpu.memref_slice %arg9[%dma_wait3A_368, %dma_wait3A_378, %dma_wait3A_379] : memref<3x256x128xf32, #tpu.memory_space<vmem>> -> memref<1x256x128xf32, #tpu.memory_space<vmem>>
    %dma_wait3A_381 = tpu.memref_squeeze %dma_wait3A_380 : memref<1x256x128xf32, #tpu.memory_space<vmem>> -> memref<256x128xf32, #tpu.memory_space<vmem>>
    %dma_wait3A_382 = arith.constant 0 : i32
    %dma_wait3A_383 = tpu.memref_slice %arg5[%add3A_283, %dma_wait3A_382] : memref<65536x128xf32, #tpu.memory_space<hbm>> -> memref<256x128xf32, #tpu.memory_space<hbm>>
    tpu.wait_dma2 semaphore(%dma_wait3A_377 : memref<!tpu.dma_semaphore, #tpu.memory_space<semaphore_mem>>) src(%dma_wait3A_383 : memref<256x128xf32, #tpu.memory_space<hbm>>) dst(%dma_wait3A_381 : memref<256x128xf32, #tpu.memory_space<vmem>>)
    %add3A_384 = arith.constant 1280 : i32
    %add3A_385 = arith.addi %mul3A_9, %add3A_384 : i32
    %dma_start3A_386 = arith.constant 2 : i32
    %dma_start3A_387 = arith.constant 2 : i32
    %dma_start3A_388 = arith.constant 0 : i32
    %dma_start3A_389 = arith.constant 0 : i32
    %dma_start3A_390 = tpu.memref_slice %arg9[%dma_start3A_386, %dma_start3A_388, %dma_start3A_389] : memref<3x256x128xf32, #tpu.memory_space<vmem>> -> memref<1x256x128xf32, #tpu.memory_space<vmem>>
    %dma_start3A_391 = tpu.memref_squeeze %dma_start3A_390 : memref<1x256x128xf32, #tpu.memory_space<vmem>> -> memref<256x128xf32, #tpu.memory_space<vmem>>
    %dma_start3A_392 = arith.constant 0 : i32
    %dma_start3A_393 = tpu.memref_slice %arg7[%add3A_385, %dma_start3A_392] : memref<65536x128xf32, #tpu.memory_space<hbm>> -> memref<256x128xf32, #tpu.memory_space<hbm>>
    %dma_start3A_394 = tpu.memref_slice %arg15[%dma_start3A_387] : memref<3x!tpu.dma_semaphore, #tpu.memory_space<semaphore_mem>> -> memref<1x!tpu.dma_semaphore, #tpu.memory_space<semaphore_mem>>
    %dma_start3A_395 = tpu.memref_squeeze %dma_start3A_394 : memref<1x!tpu.dma_semaphore, #tpu.memory_space<semaphore_mem>> -> memref<!tpu.dma_semaphore, #tpu.memory_space<semaphore_mem>>
    %dma_start3A_396 = arith.constant 0 : i32
    %dma_start3A_397 = tpu.memref_slice %arg7[%add3A_385, %dma_start3A_396] : memref<65536x128xf32, #tpu.memory_space<hbm>> -> memref<256x128xf32, #tpu.memory_space<hbm>>
    %dma_start3A_398 = arith.constant 0 : i32
    %dma_start3A_399 = arith.constant 0 : i32
    %dma_start3A_400 = tpu.memref_slice %arg9[%dma_start3A_386, %dma_start3A_398, %dma_start3A_399] : memref<3x256x128xf32, #tpu.memory_space<vmem>> -> memref<1x256x128xf32, #tpu.memory_space<vmem>>
    %dma_start3A_401 = tpu.memref_squeeze %dma_start3A_400 : memref<1x256x128xf32, #tpu.memory_space<vmem>> -> memref<256x128xf32, #tpu.memory_space<vmem>>
    tpu.enqueue_dma source(%dma_start3A_401 : memref<256x128xf32, #tpu.memory_space<vmem>>) target(%dma_start3A_397 : memref<256x128xf32, #tpu.memory_space<hbm>>) target_semaphore(%dma_start3A_395 : memref<!tpu.dma_semaphore, #tpu.memory_space<semaphore_mem>>)
    %dma_wait3A_402 = arith.constant 1 : i32
    %dma_wait3A_403 = arith.constant 1 : i32
    %dma_wait3A_404 = arith.constant 0 : i32
    %dma_wait3A_405 = arith.constant 0 : i32
    %dma_wait3A_406 = tpu.memref_slice %arg9[%dma_wait3A_402, %dma_wait3A_404, %dma_wait3A_405] : memref<3x256x128xf32, #tpu.memory_space<vmem>> -> memref<1x256x128xf32, #tpu.memory_space<vmem>>
    %dma_wait3A_407 = tpu.memref_squeeze %dma_wait3A_406 : memref<1x256x128xf32, #tpu.memory_space<vmem>> -> memref<256x128xf32, #tpu.memory_space<vmem>>
    %dma_wait3A_408 = arith.constant 0 : i32
    %dma_wait3A_409 = tpu.memref_slice %arg7[%add3A_317, %dma_wait3A_408] : memref<65536x128xf32, #tpu.memory_space<hbm>> -> memref<256x128xf32, #tpu.memory_space<hbm>>
    %dma_wait3A_410 = tpu.memref_slice %arg15[%dma_wait3A_403] : memref<3x!tpu.dma_semaphore, #tpu.memory_space<semaphore_mem>> -> memref<1x!tpu.dma_semaphore, #tpu.memory_space<semaphore_mem>>
    %dma_wait3A_411 = tpu.memref_squeeze %dma_wait3A_410 : memref<1x!tpu.dma_semaphore, #tpu.memory_space<semaphore_mem>> -> memref<!tpu.dma_semaphore, #tpu.memory_space<semaphore_mem>>
    %dma_wait3A_412 = arith.constant 0 : i32
    %dma_wait3A_413 = tpu.memref_slice %arg7[%add3A_317, %dma_wait3A_412] : memref<65536x128xf32, #tpu.memory_space<hbm>> -> memref<256x128xf32, #tpu.memory_space<hbm>>
    %dma_wait3A_414 = arith.constant 0 : i32
    %dma_wait3A_415 = arith.constant 0 : i32
    %dma_wait3A_416 = tpu.memref_slice %arg9[%dma_wait3A_402, %dma_wait3A_414, %dma_wait3A_415] : memref<3x256x128xf32, #tpu.memory_space<vmem>> -> memref<1x256x128xf32, #tpu.memory_space<vmem>>
    %dma_wait3A_417 = tpu.memref_squeeze %dma_wait3A_416 : memref<1x256x128xf32, #tpu.memory_space<vmem>> -> memref<256x128xf32, #tpu.memory_space<vmem>>
    tpu.wait_dma2 semaphore(%dma_wait3A_411 : memref<!tpu.dma_semaphore, #tpu.memory_space<semaphore_mem>>) src(%dma_wait3A_417 : memref<256x128xf32, #tpu.memory_space<vmem>>) dst(%dma_wait3A_413 : memref<256x128xf32, #tpu.memory_space<hbm>>)
    %add3A_418 = arith.constant 1792 : i32
    %add3A_419 = arith.addi %mul3A_9, %add3A_418 : i32
    %dma_start3A_420 = arith.constant 1 : i32
    %dma_start3A_421 = arith.constant 1 : i32
    %dma_start3A_422 = arith.constant 0 : i32
    %dma_start3A_423 = arith.constant 0 : i32
    %dma_start3A_424 = tpu.memref_slice %arg9[%dma_start3A_420, %dma_start3A_422, %dma_start3A_423] : memref<3x256x128xf32, #tpu.memory_space<vmem>> -> memref<1x256x128xf32, #tpu.memory_space<vmem>>
    %dma_start3A_425 = tpu.memref_squeeze %dma_start3A_424 : memref<1x256x128xf32, #tpu.memory_space<vmem>> -> memref<256x128xf32, #tpu.memory_space<vmem>>
    %dma_start3A_426 = arith.constant 0 : i32
    %dma_start3A_427 = tpu.memref_slice %arg5[%add3A_419, %dma_start3A_426] : memref<65536x128xf32, #tpu.memory_space<hbm>> -> memref<256x128xf32, #tpu.memory_space<hbm>>
    %dma_start3A_428 = tpu.memref_slice %arg14[%dma_start3A_421] : memref<3x!tpu.dma_semaphore, #tpu.memory_space<semaphore_mem>> -> memref<1x!tpu.dma_semaphore, #tpu.memory_space<semaphore_mem>>
    %dma_start3A_429 = tpu.memref_squeeze %dma_start3A_428 : memref<1x!tpu.dma_semaphore, #tpu.memory_space<semaphore_mem>> -> memref<!tpu.dma_semaphore, #tpu.memory_space<semaphore_mem>>
    %dma_start3A_430 = arith.constant 0 : i32
    %dma_start3A_431 = arith.constant 0 : i32
    %dma_start3A_432 = tpu.memref_slice %arg9[%dma_start3A_420, %dma_start3A_430, %dma_start3A_431] : memref<3x256x128xf32, #tpu.memory_space<vmem>> -> memref<1x256x128xf32, #tpu.memory_space<vmem>>
    %dma_start3A_433 = tpu.memref_squeeze %dma_start3A_432 : memref<1x256x128xf32, #tpu.memory_space<vmem>> -> memref<256x128xf32, #tpu.memory_space<vmem>>
    %dma_start3A_434 = arith.constant 0 : i32
    %dma_start3A_435 = tpu.memref_slice %arg5[%add3A_419, %dma_start3A_434] : memref<65536x128xf32, #tpu.memory_space<hbm>> -> memref<256x128xf32, #tpu.memory_space<hbm>>
    tpu.enqueue_dma source(%dma_start3A_435 : memref<256x128xf32, #tpu.memory_space<hbm>>) target(%dma_start3A_433 : memref<256x128xf32, #tpu.memory_space<vmem>>) target_semaphore(%dma_start3A_429 : memref<!tpu.dma_semaphore, #tpu.memory_space<semaphore_mem>>)
    %dma_wait3A_436 = arith.constant 0 : i32
    %dma_wait3A_437 = arith.constant 0 : i32
    %dma_wait3A_438 = arith.constant 0 : i32
    %dma_wait3A_439 = arith.constant 0 : i32
    %dma_wait3A_440 = tpu.memref_slice %arg9[%dma_wait3A_436, %dma_wait3A_438, %dma_wait3A_439] : memref<3x256x128xf32, #tpu.memory_space<vmem>> -> memref<1x256x128xf32, #tpu.memory_space<vmem>>
    %dma_wait3A_441 = tpu.memref_squeeze %dma_wait3A_440 : memref<1x256x128xf32, #tpu.memory_space<vmem>> -> memref<256x128xf32, #tpu.memory_space<vmem>>
    %dma_wait3A_442 = arith.constant 0 : i32
    %dma_wait3A_443 = tpu.memref_slice %arg5[%add3A_351, %dma_wait3A_442] : memref<65536x128xf32, #tpu.memory_space<hbm>> -> memref<256x128xf32, #tpu.memory_space<hbm>>
    %dma_wait3A_444 = tpu.memref_slice %arg14[%dma_wait3A_437] : memref<3x!tpu.dma_semaphore, #tpu.memory_space<semaphore_mem>> -> memref<1x!tpu.dma_semaphore, #tpu.memory_space<semaphore_mem>>
    %dma_wait3A_445 = tpu.memref_squeeze %dma_wait3A_444 : memref<1x!tpu.dma_semaphore, #tpu.memory_space<semaphore_mem>> -> memref<!tpu.dma_semaphore, #tpu.memory_space<semaphore_mem>>
    %dma_wait3A_446 = arith.constant 0 : i32
    %dma_wait3A_447 = arith.constant 0 : i32
    %dma_wait3A_448 = tpu.memref_slice %arg9[%dma_wait3A_436, %dma_wait3A_446, %dma_wait3A_447] : memref<3x256x128xf32, #tpu.memory_space<vmem>> -> memref<1x256x128xf32, #tpu.memory_space<vmem>>
    %dma_wait3A_449 = tpu.memref_squeeze %dma_wait3A_448 : memref<1x256x128xf32, #tpu.memory_space<vmem>> -> memref<256x128xf32, #tpu.memory_space<vmem>>
    %dma_wait3A_450 = arith.constant 0 : i32
    %dma_wait3A_451 = tpu.memref_slice %arg5[%add3A_351, %dma_wait3A_450] : memref<65536x128xf32, #tpu.memory_space<hbm>> -> memref<256x128xf32, #tpu.memory_space<hbm>>
    tpu.wait_dma2 semaphore(%dma_wait3A_445 : memref<!tpu.dma_semaphore, #tpu.memory_space<semaphore_mem>>) src(%dma_wait3A_451 : memref<256x128xf32, #tpu.memory_space<hbm>>) dst(%dma_wait3A_449 : memref<256x128xf32, #tpu.memory_space<vmem>>)
    %add3A_452 = arith.constant 1536 : i32
    %add3A_453 = arith.addi %mul3A_9, %add3A_452 : i32
    %dma_start3A_454 = arith.constant 0 : i32
    %dma_start3A_455 = arith.constant 0 : i32
    %dma_start3A_456 = arith.constant 0 : i32
    %dma_start3A_457 = arith.constant 0 : i32
    %dma_start3A_458 = tpu.memref_slice %arg9[%dma_start3A_454, %dma_start3A_456, %dma_start3A_457] : memref<3x256x128xf32, #tpu.memory_space<vmem>> -> memref<1x256x128xf32, #tpu.memory_space<vmem>>
    %dma_start3A_459 = tpu.memref_squeeze %dma_start3A_458 : memref<1x256x128xf32, #tpu.memory_space<vmem>> -> memref<256x128xf32, #tpu.memory_space<vmem>>
    %dma_start3A_460 = arith.constant 0 : i32
    %dma_start3A_461 = tpu.memref_slice %arg7[%add3A_453, %dma_start3A_460] : memref<65536x128xf32, #tpu.memory_space<hbm>> -> memref<256x128xf32, #tpu.memory_space<hbm>>
    %dma_start3A_462 = tpu.memref_slice %arg15[%dma_start3A_455] : memref<3x!tpu.dma_semaphore, #tpu.memory_space<semaphore_mem>> -> memref<1x!tpu.dma_semaphore, #tpu.memory_space<semaphore_mem>>
    %dma_start3A_463 = tpu.memref_squeeze %dma_start3A_462 : memref<1x!tpu.dma_semaphore, #tpu.memory_space<semaphore_mem>> -> memref<!tpu.dma_semaphore, #tpu.memory_space<semaphore_mem>>
    %dma_start3A_464 = arith.constant 0 : i32
    %dma_start3A_465 = tpu.memref_slice %arg7[%add3A_453, %dma_start3A_464] : memref<65536x128xf32, #tpu.memory_space<hbm>> -> memref<256x128xf32, #tpu.memory_space<hbm>>
    %dma_start3A_466 = arith.constant 0 : i32
    %dma_start3A_467 = arith.constant 0 : i32
    %dma_start3A_468 = tpu.memref_slice %arg9[%dma_start3A_454, %dma_start3A_466, %dma_start3A_467] : memref<3x256x128xf32, #tpu.memory_space<vmem>> -> memref<1x256x128xf32, #tpu.memory_space<vmem>>
    %dma_start3A_469 = tpu.memref_squeeze %dma_start3A_468 : memref<1x256x128xf32, #tpu.memory_space<vmem>> -> memref<256x128xf32, #tpu.memory_space<vmem>>
    tpu.enqueue_dma source(%dma_start3A_469 : memref<256x128xf32, #tpu.memory_space<vmem>>) target(%dma_start3A_465 : memref<256x128xf32, #tpu.memory_space<hbm>>) target_semaphore(%dma_start3A_463 : memref<!tpu.dma_semaphore, #tpu.memory_space<semaphore_mem>>)
    %dma_wait3A_470 = arith.constant 1 : i32
    %dma_wait3A_471 = arith.constant 1 : i32
    %dma_wait3A_472 = arith.constant 0 : i32
    %dma_wait3A_473 = arith.constant 0 : i32
    %dma_wait3A_474 = tpu.memref_slice %arg9[%dma_wait3A_470, %dma_wait3A_472, %dma_wait3A_473] : memref<3x256x128xf32, #tpu.memory_space<vmem>> -> memref<1x256x128xf32, #tpu.memory_space<vmem>>
    %dma_wait3A_475 = tpu.memref_squeeze %dma_wait3A_474 : memref<1x256x128xf32, #tpu.memory_space<vmem>> -> memref<256x128xf32, #tpu.memory_space<vmem>>
    %dma_wait3A_476 = arith.constant 0 : i32
    %dma_wait3A_477 = tpu.memref_slice %arg5[%add3A_419, %dma_wait3A_476] : memref<65536x128xf32, #tpu.memory_space<hbm>> -> memref<256x128xf32, #tpu.memory_space<hbm>>
    %dma_wait3A_478 = tpu.memref_slice %arg14[%dma_wait3A_471] : memref<3x!tpu.dma_semaphore, #tpu.memory_space<semaphore_mem>> -> memref<1x!tpu.dma_semaphore, #tpu.memory_space<semaphore_mem>>
    %dma_wait3A_479 = tpu.memref_squeeze %dma_wait3A_478 : memref<1x!tpu.dma_semaphore, #tpu.memory_space<semaphore_mem>> -> memref<!tpu.dma_semaphore, #tpu.memory_space<semaphore_mem>>
    %dma_wait3A_480 = arith.constant 0 : i32
    %dma_wait3A_481 = arith.constant 0 : i32
    %dma_wait3A_482 = tpu.memref_slice %arg9[%dma_wait3A_470, %dma_wait3A_480, %dma_wait3A_481] : memref<3x256x128xf32, #tpu.memory_space<vmem>> -> memref<1x256x128xf32, #tpu.memory_space<vmem>>
    %dma_wait3A_483 = tpu.memref_squeeze %dma_wait3A_482 : memref<1x256x128xf32, #tpu.memory_space<vmem>> -> memref<256x128xf32, #tpu.memory_space<vmem>>
    %dma_wait3A_484 = arith.constant 0 : i32
    %dma_wait3A_485 = tpu.memref_slice %arg5[%add3A_419, %dma_wait3A_484] : memref<65536x128xf32, #tpu.memory_space<hbm>> -> memref<256x128xf32, #tpu.memory_space<hbm>>
    tpu.wait_dma2 semaphore(%dma_wait3A_479 : memref<!tpu.dma_semaphore, #tpu.memory_space<semaphore_mem>>) src(%dma_wait3A_485 : memref<256x128xf32, #tpu.memory_space<hbm>>) dst(%dma_wait3A_483 : memref<256x128xf32, #tpu.memory_space<vmem>>)
    %add3A_486 = arith.constant 1792 : i32
    %add3A_487 = arith.addi %mul3A_9, %add3A_486 : i32
    %dma_start3A_488 = arith.constant 1 : i32
    %dma_start3A_489 = arith.constant 1 : i32
    %dma_start3A_490 = arith.constant 0 : i32
    %dma_start3A_491 = arith.constant 0 : i32
    %dma_start3A_492 = tpu.memref_slice %arg9[%dma_start3A_488, %dma_start3A_490, %dma_start3A_491] : memref<3x256x128xf32, #tpu.memory_space<vmem>> -> memref<1x256x128xf32, #tpu.memory_space<vmem>>
    %dma_start3A_493 = tpu.memref_squeeze %dma_start3A_492 : memref<1x256x128xf32, #tpu.memory_space<vmem>> -> memref<256x128xf32, #tpu.memory_space<vmem>>
    %dma_start3A_494 = arith.constant 0 : i32
    %dma_start3A_495 = tpu.memref_slice %arg7[%add3A_487, %dma_start3A_494] : memref<65536x128xf32, #tpu.memory_space<hbm>> -> memref<256x128xf32, #tpu.memory_space<hbm>>
    %dma_start3A_496 = tpu.memref_slice %arg15[%dma_start3A_489] : memref<3x!tpu.dma_semaphore, #tpu.memory_space<semaphore_mem>> -> memref<1x!tpu.dma_semaphore, #tpu.memory_space<semaphore_mem>>
    %dma_start3A_497 = tpu.memref_squeeze %dma_start3A_496 : memref<1x!tpu.dma_semaphore, #tpu.memory_space<semaphore_mem>> -> memref<!tpu.dma_semaphore, #tpu.memory_space<semaphore_mem>>
    %dma_start3A_498 = arith.constant 0 : i32
    %dma_start3A_499 = tpu.memref_slice %arg7[%add3A_487, %dma_start3A_498] : memref<65536x128xf32, #tpu.memory_space<hbm>> -> memref<256x128xf32, #tpu.memory_space<hbm>>
    %dma_start3A_500 = arith.constant 0 : i32
    %dma_start3A_501 = arith.constant 0 : i32
    %dma_start3A_502 = tpu.memref_slice %arg9[%dma_start3A_488, %dma_start3A_500, %dma_start3A_501] : memref<3x256x128xf32, #tpu.memory_space<vmem>> -> memref<1x256x128xf32, #tpu.memory_space<vmem>>
    %dma_start3A_503 = tpu.memref_squeeze %dma_start3A_502 : memref<1x256x128xf32, #tpu.memory_space<vmem>> -> memref<256x128xf32, #tpu.memory_space<vmem>>
    tpu.enqueue_dma source(%dma_start3A_503 : memref<256x128xf32, #tpu.memory_space<vmem>>) target(%dma_start3A_499 : memref<256x128xf32, #tpu.memory_space<hbm>>) target_semaphore(%dma_start3A_497 : memref<!tpu.dma_semaphore, #tpu.memory_space<semaphore_mem>>)
    %dma_wait3A_504 = arith.constant 2 : i32
    %dma_wait3A_505 = arith.constant 2 : i32
    %dma_wait3A_506 = arith.constant 0 : i32
    %dma_wait3A_507 = arith.constant 0 : i32
    %dma_wait3A_508 = tpu.memref_slice %arg9[%dma_wait3A_504, %dma_wait3A_506, %dma_wait3A_507] : memref<3x256x128xf32, #tpu.memory_space<vmem>> -> memref<1x256x128xf32, #tpu.memory_space<vmem>>
    %dma_wait3A_509 = tpu.memref_squeeze %dma_wait3A_508 : memref<1x256x128xf32, #tpu.memory_space<vmem>> -> memref<256x128xf32, #tpu.memory_space<vmem>>
    %dma_wait3A_510 = arith.constant 0 : i32
    %dma_wait3A_511 = tpu.memref_slice %arg7[%add3A_385, %dma_wait3A_510] : memref<65536x128xf32, #tpu.memory_space<hbm>> -> memref<256x128xf32, #tpu.memory_space<hbm>>
    %dma_wait3A_512 = tpu.memref_slice %arg15[%dma_wait3A_505] : memref<3x!tpu.dma_semaphore, #tpu.memory_space<semaphore_mem>> -> memref<1x!tpu.dma_semaphore, #tpu.memory_space<semaphore_mem>>
    %dma_wait3A_513 = tpu.memref_squeeze %dma_wait3A_512 : memref<1x!tpu.dma_semaphore, #tpu.memory_space<semaphore_mem>> -> memref<!tpu.dma_semaphore, #tpu.memory_space<semaphore_mem>>
    %dma_wait3A_514 = arith.constant 0 : i32
    %dma_wait3A_515 = tpu.memref_slice %arg7[%add3A_385, %dma_wait3A_514] : memref<65536x128xf32, #tpu.memory_space<hbm>> -> memref<256x128xf32, #tpu.memory_space<hbm>>
    %dma_wait3A_516 = arith.constant 0 : i32
    %dma_wait3A_517 = arith.constant 0 : i32
    %dma_wait3A_518 = tpu.memref_slice %arg9[%dma_wait3A_504, %dma_wait3A_516, %dma_wait3A_517] : memref<3x256x128xf32, #tpu.memory_space<vmem>> -> memref<1x256x128xf32, #tpu.memory_space<vmem>>
    %dma_wait3A_519 = tpu.memref_squeeze %dma_wait3A_518 : memref<1x256x128xf32, #tpu.memory_space<vmem>> -> memref<256x128xf32, #tpu.memory_space<vmem>>
    tpu.wait_dma2 semaphore(%dma_wait3A_513 : memref<!tpu.dma_semaphore, #tpu.memory_space<semaphore_mem>>) src(%dma_wait3A_519 : memref<256x128xf32, #tpu.memory_space<vmem>>) dst(%dma_wait3A_515 : memref<256x128xf32, #tpu.memory_space<hbm>>)
    %dma_wait3A_520 = arith.constant 0 : i32
    %dma_wait3A_521 = arith.constant 0 : i32
    %dma_wait3A_522 = arith.constant 0 : i32
    %dma_wait3A_523 = arith.constant 0 : i32
    %dma_wait3A_524 = tpu.memref_slice %arg9[%dma_wait3A_520, %dma_wait3A_522, %dma_wait3A_523] : memref<3x256x128xf32, #tpu.memory_space<vmem>> -> memref<1x256x128xf32, #tpu.memory_space<vmem>>
    %dma_wait3A_525 = tpu.memref_squeeze %dma_wait3A_524 : memref<1x256x128xf32, #tpu.memory_space<vmem>> -> memref<256x128xf32, #tpu.memory_space<vmem>>
    %dma_wait3A_526 = arith.constant 0 : i32
    %dma_wait3A_527 = tpu.memref_slice %arg7[%add3A_453, %dma_wait3A_526] : memref<65536x128xf32, #tpu.memory_space<hbm>> -> memref<256x128xf32, #tpu.memory_space<hbm>>
    %dma_wait3A_528 = tpu.memref_slice %arg15[%dma_wait3A_521] : memref<3x!tpu.dma_semaphore, #tpu.memory_space<semaphore_mem>> -> memref<1x!tpu.dma_semaphore, #tpu.memory_space<semaphore_mem>>
    %dma_wait3A_529 = tpu.memref_squeeze %dma_wait3A_528 : memref<1x!tpu.dma_semaphore, #tpu.memory_space<semaphore_mem>> -> memref<!tpu.dma_semaphore, #tpu.memory_space<semaphore_mem>>
    %dma_wait3A_530 = arith.constant 0 : i32
    %dma_wait3A_531 = tpu.memref_slice %arg7[%add3A_453, %dma_wait3A_530] : memref<65536x128xf32, #tpu.memory_space<hbm>> -> memref<256x128xf32, #tpu.memory_space<hbm>>
    %dma_wait3A_532 = arith.constant 0 : i32
    %dma_wait3A_533 = arith.constant 0 : i32
    %dma_wait3A_534 = tpu.memref_slice %arg9[%dma_wait3A_520, %dma_wait3A_532, %dma_wait3A_533] : memref<3x256x128xf32, #tpu.memory_space<vmem>> -> memref<1x256x128xf32, #tpu.memory_space<vmem>>
    %dma_wait3A_535 = tpu.memref_squeeze %dma_wait3A_534 : memref<1x256x128xf32, #tpu.memory_space<vmem>> -> memref<256x128xf32, #tpu.memory_space<vmem>>
    tpu.wait_dma2 semaphore(%dma_wait3A_529 : memref<!tpu.dma_semaphore, #tpu.memory_space<semaphore_mem>>) src(%dma_wait3A_535 : memref<256x128xf32, #tpu.memory_space<vmem>>) dst(%dma_wait3A_531 : memref<256x128xf32, #tpu.memory_space<hbm>>)
    %dma_wait3A_536 = arith.constant 1 : i32
    %dma_wait3A_537 = arith.constant 1 : i32
    %dma_wait3A_538 = arith.constant 0 : i32
    %dma_wait3A_539 = arith.constant 0 : i32
    %dma_wait3A_540 = tpu.memref_slice %arg9[%dma_wait3A_536, %dma_wait3A_538, %dma_wait3A_539] : memref<3x256x128xf32, #tpu.memory_space<vmem>> -> memref<1x256x128xf32, #tpu.memory_space<vmem>>
    %dma_wait3A_541 = tpu.memref_squeeze %dma_wait3A_540 : memref<1x256x128xf32, #tpu.memory_space<vmem>> -> memref<256x128xf32, #tpu.memory_space<vmem>>
    %dma_wait3A_542 = arith.constant 0 : i32
    %dma_wait3A_543 = tpu.memref_slice %arg7[%add3A_487, %dma_wait3A_542] : memref<65536x128xf32, #tpu.memory_space<hbm>> -> memref<256x128xf32, #tpu.memory_space<hbm>>
    %dma_wait3A_544 = tpu.memref_slice %arg15[%dma_wait3A_537] : memref<3x!tpu.dma_semaphore, #tpu.memory_space<semaphore_mem>> -> memref<1x!tpu.dma_semaphore, #tpu.memory_space<semaphore_mem>>
    %dma_wait3A_545 = tpu.memref_squeeze %dma_wait3A_544 : memref<1x!tpu.dma_semaphore, #tpu.memory_space<semaphore_mem>> -> memref<!tpu.dma_semaphore, #tpu.memory_space<semaphore_mem>>
    %dma_wait3A_546 = arith.constant 0 : i32
    %dma_wait3A_547 = tpu.memref_slice %arg7[%add3A_487, %dma_wait3A_546] : memref<65536x128xf32, #tpu.memory_space<hbm>> -> memref<256x128xf32, #tpu.memory_space<hbm>>
    %dma_wait3A_548 = arith.constant 0 : i32
    %dma_wait3A_549 = arith.constant 0 : i32
    %dma_wait3A_550 = tpu.memref_slice %arg9[%dma_wait3A_536, %dma_wait3A_548, %dma_wait3A_549] : memref<3x256x128xf32, #tpu.memory_space<vmem>> -> memref<1x256x128xf32, #tpu.memory_space<vmem>>
    %dma_wait3A_551 = tpu.memref_squeeze %dma_wait3A_550 : memref<1x256x128xf32, #tpu.memory_space<vmem>> -> memref<256x128xf32, #tpu.memory_space<vmem>>
    tpu.wait_dma2 semaphore(%dma_wait3A_545 : memref<!tpu.dma_semaphore, #tpu.memory_space<semaphore_mem>>) src(%dma_wait3A_551 : memref<256x128xf32, #tpu.memory_space<vmem>>) dst(%dma_wait3A_547 : memref<256x128xf32, #tpu.memory_space<hbm>>)
    %jit3A = arith.constant 2048 : i32
    %div3A = arith.divsi %squeeze3A, %jit3A : i32
    %sign3A = arith.constant 0 : i32
    %sign3A_552 = arith.cmpi sgt, %squeeze3A, %sign3A : i32
    %sign3A_553 = arith.extui %sign3A_552 : i1 to i32
    %sign3A_554 = arith.constant 0 : i32
    %sign3A_555 = arith.cmpi slt, %squeeze3A, %sign3A_554 : i32
    %sign3A_556 = arith.extui %sign3A_555 : i1 to i32
    %sign3A_557 = arith.subi %sign3A_553, %sign3A_556 : i32
    %sign3A_558 = arith.constant 0 : i32
    %sign3A_559 = arith.cmpi sgt, %jit3A, %sign3A_558 : i32
    %sign3A_560 = arith.extui %sign3A_559 : i1 to i32
    %sign3A_561 = arith.constant 0 : i32
    %sign3A_562 = arith.cmpi slt, %jit3A, %sign3A_561 : i32
    %sign3A_563 = arith.extui %sign3A_562 : i1 to i32
    %sign3A_564 = arith.subi %sign3A_560, %sign3A_563 : i32
    %ne3A = arith.cmpi ne, %sign3A_557, %sign3A_564 : i32
    %rem3A = arith.remsi %squeeze3A, %jit3A : i32
    %ne3A_565 = arith.constant 0 : i32
    %ne3A_566 = arith.cmpi ne, %rem3A, %ne3A_565 : i32
    %and3A = arith.andi %ne3A, %ne3A_566 : i1
    %sub3A = arith.constant 1 : i32
    %sub3A_567 = arith.subi %div3A, %sub3A : i32
    %select_n3A = arith.select %and3A, %sub3A_567, %div3A : i32
    %eq3A = arith.cmpi eq, %add3A, %select_n3A : i32
    %convert_element_type3A = arith.extui %eq3A : i1 to i32
    %cond3A = arith.constant 0 : i32
    %cond3A_568 = arith.cmpi ne, %convert_element_type3A, %cond3A : i32
    scf.if %cond3A_568 {
      tpu.enqueue_dma source(%arg4 : memref<1x128xf32, #tpu.memory_space<hbm>>) target(%arg11 : memref<1x128xf32, #tpu.memory_space<vmem>>) target_semaphore(%arg17 : memref<!tpu.dma_semaphore, #tpu.memory_space<semaphore_mem>>)
      tpu.wait_dma2 semaphore(%arg17 : memref<!tpu.dma_semaphore, #tpu.memory_space<semaphore_mem>>) src(%arg4 : memref<1x128xf32, #tpu.memory_space<hbm>>) dst(%arg11 : memref<1x128xf32, #tpu.memory_space<vmem>>)
      %dma_start3A_574 = arith.constant 0 : i32
      %dma_start3A_575 = tpu.memref_slice %arg7[%squeeze3A, %dma_start3A_574] : memref<65536x128xf32, #tpu.memory_space<hbm>> -> memref<1x128xf32, #tpu.memory_space<hbm>>
      %dma_start3A_576 = arith.constant 0 : i32
      %dma_start3A_577 = tpu.memref_slice %arg7[%squeeze3A, %dma_start3A_576] : memref<65536x128xf32, #tpu.memory_space<hbm>> -> memref<1x128xf32, #tpu.memory_space<hbm>>
      tpu.enqueue_dma source(%arg11 : memref<1x128xf32, #tpu.memory_space<vmem>>) target(%dma_start3A_577 : memref<1x128xf32, #tpu.memory_space<hbm>>) target_semaphore(%arg17 : memref<!tpu.dma_semaphore, #tpu.memory_space<semaphore_mem>>)
      %dma_wait3A_578 = arith.constant 0 : i32
      %dma_wait3A_579 = tpu.memref_slice %arg7[%squeeze3A, %dma_wait3A_578] : memref<65536x128xf32, #tpu.memory_space<hbm>> -> memref<1x128xf32, #tpu.memory_space<hbm>>
      %dma_wait3A_580 = arith.constant 0 : i32
      %dma_wait3A_581 = tpu.memref_slice %arg7[%squeeze3A, %dma_wait3A_580] : memref<65536x128xf32, #tpu.memory_space<hbm>> -> memref<1x128xf32, #tpu.memory_space<hbm>>
      tpu.wait_dma2 semaphore(%arg17 : memref<!tpu.dma_semaphore, #tpu.memory_space<semaphore_mem>>) src(%arg11 : memref<1x128xf32, #tpu.memory_space<vmem>>) dst(%dma_wait3A_581 : memref<1x128xf32, #tpu.memory_space<hbm>>)
    } else {
    }
    %eq3A_569 = arith.constant 0 : i32
    %eq3A_570 = arith.cmpi eq, %add3A, %eq3A_569 : i32
    %convert_element_type3A_571 = arith.extui %eq3A_570 : i1 to i32
    %cond3A_572 = arith.constant 0 : i32
    %cond3A_573 = arith.cmpi ne, %convert_element_type3A_571, %cond3A_572 : i32
    scf.if %cond3A_573 {
      %dma_start3A_574 = arith.constant 0 : i32
      %dma_start3A_575 = tpu.memref_slice %arg6[%dma_start3A_574] : memref<65536xi32, #tpu.memory_space<hbm>> -> memref<16384xi32, #tpu.memory_space<hbm>>
      %dma_start3A_576 = arith.constant 0 : i32
      %dma_start3A_577 = tpu.memref_slice %arg6[%dma_start3A_576] : memref<65536xi32, #tpu.memory_space<hbm>> -> memref<16384xi32, #tpu.memory_space<hbm>>
      tpu.enqueue_dma source(%dma_start3A_577 : memref<16384xi32, #tpu.memory_space<hbm>>) target(%arg10 : memref<16384xi32, #tpu.memory_space<vmem>>) target_semaphore(%arg16 : memref<!tpu.dma_semaphore, #tpu.memory_space<semaphore_mem>>)
      %dma_wait3A_578 = arith.constant 0 : i32
      %dma_wait3A_579 = tpu.memref_slice %arg6[%dma_wait3A_578] : memref<65536xi32, #tpu.memory_space<hbm>> -> memref<16384xi32, #tpu.memory_space<hbm>>
      %dma_wait3A_580 = arith.constant 0 : i32
      %dma_wait3A_581 = tpu.memref_slice %arg6[%dma_wait3A_580] : memref<65536xi32, #tpu.memory_space<hbm>> -> memref<16384xi32, #tpu.memory_space<hbm>>
      tpu.wait_dma2 semaphore(%arg16 : memref<!tpu.dma_semaphore, #tpu.memory_space<semaphore_mem>>) src(%dma_wait3A_581 : memref<16384xi32, #tpu.memory_space<hbm>>) dst(%arg10 : memref<16384xi32, #tpu.memory_space<vmem>>)
      %ge3A = arith.constant 0 : i32
      %ge3A_582 = arith.cmpi sge, %squeeze3A, %ge3A : i32
      %lt3A = arith.constant 16384 : i32
      %lt3A_583 = arith.cmpi slt, %squeeze3A, %lt3A : i32
      %and3A_584 = arith.andi %ge3A_582, %lt3A_583 : i1
      %convert_element_type3A_585 = arith.extui %and3A_584 : i1 to i32
      %cond3A_586 = arith.constant 0 : i32
      %cond3A_587 = arith.cmpi ne, %convert_element_type3A_585, %cond3A_586 : i32
      scf.if %cond3A_587 {
        %sub3A_668 = arith.constant 0 : i32
        %sub3A_669 = arith.subi %squeeze3A, %sub3A_668 : i32
        %jit3A_670 = arith.constant 16 : i32
        %div3A_671 = arith.divsi %sub3A_669, %jit3A_670 : i32
        %sign3A_672 = arith.constant 0 : i32
        %sign3A_673 = arith.cmpi sgt, %sub3A_669, %sign3A_672 : i32
        %sign3A_674 = arith.extui %sign3A_673 : i1 to i32
        %sign3A_675 = arith.constant 0 : i32
        %sign3A_676 = arith.cmpi slt, %sub3A_669, %sign3A_675 : i32
        %sign3A_677 = arith.extui %sign3A_676 : i1 to i32
        %sign3A_678 = arith.subi %sign3A_674, %sign3A_677 : i32
        %sign3A_679 = arith.constant 0 : i32
        %sign3A_680 = arith.cmpi sgt, %jit3A_670, %sign3A_679 : i32
        %sign3A_681 = arith.extui %sign3A_680 : i1 to i32
        %sign3A_682 = arith.constant 0 : i32
        %sign3A_683 = arith.cmpi slt, %jit3A_670, %sign3A_682 : i32
        %sign3A_684 = arith.extui %sign3A_683 : i1 to i32
        %sign3A_685 = arith.subi %sign3A_681, %sign3A_684 : i32
        %ne3A_686 = arith.cmpi ne, %sign3A_678, %sign3A_685 : i32
        %rem3A_687 = arith.remsi %sub3A_669, %jit3A_670 : i32
        %ne3A_688 = arith.constant 0 : i32
        %ne3A_689 = arith.cmpi ne, %rem3A_687, %ne3A_688 : i32
        %and3A_690 = arith.andi %ne3A_686, %ne3A_689 : i1
        %sub3A_691 = arith.constant 1 : i32
        %sub3A_692 = arith.subi %div3A_671, %sub3A_691 : i32
        %select_n3A_693 = arith.select %and3A_690, %sub3A_692, %div3A_671 : i32
        %mul3A_694 = arith.constant 16 : i32
        %mul3A_695 = arith.muli %select_n3A_693, %mul3A_694 : i32
        %sub3A_696 = arith.subi %sub3A_669, %mul3A_695 : i32
        %get3A_697 = arith.index_cast %mul3A_695 : i32 to index
        %get3A_698 = tpu.vector_load %arg10[%get3A_697] {strides = array<i32>} : memref<16384xi32, #tpu.memory_space<vmem>>, vector<16xi32>,
        %get3A_699 = vector.shape_cast %get3A_698 : vector<16xi32> to vector<16xi32>
        %iota3A = tpu.iota {dimensions = array<i32: 0>} : vector<16xi32>
        %eq3A_700 = vector.broadcast %sub3A_696 : i32 to vector<16xi32>
        %eq3A_701 = arith.cmpi eq, %iota3A, %eq3A_700 : vector<16xi32>
        %broadcast_in_dim3A = vector.broadcast %squeeze3A_7 : i32 to vector<16xi32>
        %select_n3A_702 = arith.select %eq3A_701, %broadcast_in_dim3A, %get3A_699 : vector<16xi1>, vector<16xi32>
        %swap3A = arith.index_cast %mul3A_695 : i32 to index
        %swap3A_703 = tpu.vector_load %arg10[%swap3A] {strides = array<i32>} : memref<16384xi32, #tpu.memory_space<vmem>>, vector<16xi32>,
        %swap3A_704 = vector.shape_cast %swap3A_703 : vector<16xi32> to vector<16xi32>
        %swap3A_705 = vector.shape_cast %select_n3A_702 : vector<16xi32> to vector<16xi32>
        tpu.vector_store %arg10[%swap3A], %swap3A_705 {strides = array<i32>} : memref<16384xi32, #tpu.memory_space<vmem>>, vector<16xi32>,
      } else {
      }
      %dma_start3A_588 = arith.constant 0 : i32
      %dma_start3A_589 = tpu.memref_slice %arg8[%dma_start3A_588] : memref<65536xi32, #tpu.memory_space<hbm>> -> memref<16384xi32, #tpu.memory_space<hbm>>
      %dma_start3A_590 = arith.constant 0 : i32
      %dma_start3A_591 = tpu.memref_slice %arg8[%dma_start3A_590] : memref<65536xi32, #tpu.memory_space<hbm>> -> memref<16384xi32, #tpu.memory_space<hbm>>
      tpu.enqueue_dma source(%arg10 : memref<16384xi32, #tpu.memory_space<vmem>>) target(%dma_start3A_591 : memref<16384xi32, #tpu.memory_space<hbm>>) target_semaphore(%arg16 : memref<!tpu.dma_semaphore, #tpu.memory_space<semaphore_mem>>)
      %dma_wait3A_592 = arith.constant 0 : i32
      %dma_wait3A_593 = tpu.memref_slice %arg8[%dma_wait3A_592] : memref<65536xi32, #tpu.memory_space<hbm>> -> memref<16384xi32, #tpu.memory_space<hbm>>
      %dma_wait3A_594 = arith.constant 0 : i32
      %dma_wait3A_595 = tpu.memref_slice %arg8[%dma_wait3A_594] : memref<65536xi32, #tpu.memory_space<hbm>> -> memref<16384xi32, #tpu.memory_space<hbm>>
      tpu.wait_dma2 semaphore(%arg16 : memref<!tpu.dma_semaphore, #tpu.memory_space<semaphore_mem>>) src(%arg10 : memref<16384xi32, #tpu.memory_space<vmem>>) dst(%dma_wait3A_595 : memref<16384xi32, #tpu.memory_space<hbm>>)
      %dma_start3A_596 = arith.constant 16384 : i32
      %dma_start3A_597 = tpu.memref_slice %arg6[%dma_start3A_596] : memref<65536xi32, #tpu.memory_space<hbm>> -> memref<16384xi32, #tpu.memory_space<hbm>>
      %dma_start3A_598 = arith.constant 16384 : i32
      %dma_start3A_599 = tpu.memref_slice %arg6[%dma_start3A_598] : memref<65536xi32, #tpu.memory_space<hbm>> -> memref<16384xi32, #tpu.memory_space<hbm>>
      tpu.enqueue_dma source(%dma_start3A_599 : memref<16384xi32, #tpu.memory_space<hbm>>) target(%arg10 : memref<16384xi32, #tpu.memory_space<vmem>>) target_semaphore(%arg16 : memref<!tpu.dma_semaphore, #tpu.memory_space<semaphore_mem>>)
      %dma_wait3A_600 = arith.constant 16384 : i32
      %dma_wait3A_601 = tpu.memref_slice %arg6[%dma_wait3A_600] : memref<65536xi32, #tpu.memory_space<hbm>> -> memref<16384xi32, #tpu.memory_space<hbm>>
      %dma_wait3A_602 = arith.constant 16384 : i32
      %dma_wait3A_603 = tpu.memref_slice %arg6[%dma_wait3A_602] : memref<65536xi32, #tpu.memory_space<hbm>> -> memref<16384xi32, #tpu.memory_space<hbm>>
      tpu.wait_dma2 semaphore(%arg16 : memref<!tpu.dma_semaphore, #tpu.memory_space<semaphore_mem>>) src(%dma_wait3A_603 : memref<16384xi32, #tpu.memory_space<hbm>>) dst(%arg10 : memref<16384xi32, #tpu.memory_space<vmem>>)
      %ge3A_604 = arith.constant 16384 : i32
      %ge3A_605 = arith.cmpi sge, %squeeze3A, %ge3A_604 : i32
      %lt3A_606 = arith.constant 32768 : i32
      %lt3A_607 = arith.cmpi slt, %squeeze3A, %lt3A_606 : i32
      %and3A_608 = arith.andi %ge3A_605, %lt3A_607 : i1
      %convert_element_type3A_609 = arith.extui %and3A_608 : i1 to i32
      %cond3A_610 = arith.constant 0 : i32
      %cond3A_611 = arith.cmpi ne, %convert_element_type3A_609, %cond3A_610 : i32
      scf.if %cond3A_611 {
        %sub3A_668 = arith.constant 16384 : i32
        %sub3A_669 = arith.subi %squeeze3A, %sub3A_668 : i32
        %jit3A_670 = arith.constant 16 : i32
        %div3A_671 = arith.divsi %sub3A_669, %jit3A_670 : i32
        %sign3A_672 = arith.constant 0 : i32
        %sign3A_673 = arith.cmpi sgt, %sub3A_669, %sign3A_672 : i32
        %sign3A_674 = arith.extui %sign3A_673 : i1 to i32
        %sign3A_675 = arith.constant 0 : i32
        %sign3A_676 = arith.cmpi slt, %sub3A_669, %sign3A_675 : i32
        %sign3A_677 = arith.extui %sign3A_676 : i1 to i32
        %sign3A_678 = arith.subi %sign3A_674, %sign3A_677 : i32
        %sign3A_679 = arith.constant 0 : i32
        %sign3A_680 = arith.cmpi sgt, %jit3A_670, %sign3A_679 : i32
        %sign3A_681 = arith.extui %sign3A_680 : i1 to i32
        %sign3A_682 = arith.constant 0 : i32
        %sign3A_683 = arith.cmpi slt, %jit3A_670, %sign3A_682 : i32
        %sign3A_684 = arith.extui %sign3A_683 : i1 to i32
        %sign3A_685 = arith.subi %sign3A_681, %sign3A_684 : i32
        %ne3A_686 = arith.cmpi ne, %sign3A_678, %sign3A_685 : i32
        %rem3A_687 = arith.remsi %sub3A_669, %jit3A_670 : i32
        %ne3A_688 = arith.constant 0 : i32
        %ne3A_689 = arith.cmpi ne, %rem3A_687, %ne3A_688 : i32
        %and3A_690 = arith.andi %ne3A_686, %ne3A_689 : i1
        %sub3A_691 = arith.constant 1 : i32
        %sub3A_692 = arith.subi %div3A_671, %sub3A_691 : i32
        %select_n3A_693 = arith.select %and3A_690, %sub3A_692, %div3A_671 : i32
        %mul3A_694 = arith.constant 16 : i32
        %mul3A_695 = arith.muli %select_n3A_693, %mul3A_694 : i32
        %sub3A_696 = arith.subi %sub3A_669, %mul3A_695 : i32
        %get3A_697 = arith.index_cast %mul3A_695 : i32 to index
        %get3A_698 = tpu.vector_load %arg10[%get3A_697] {strides = array<i32>} : memref<16384xi32, #tpu.memory_space<vmem>>, vector<16xi32>,
        %get3A_699 = vector.shape_cast %get3A_698 : vector<16xi32> to vector<16xi32>
        %iota3A = tpu.iota {dimensions = array<i32: 0>} : vector<16xi32>
        %eq3A_700 = vector.broadcast %sub3A_696 : i32 to vector<16xi32>
        %eq3A_701 = arith.cmpi eq, %iota3A, %eq3A_700 : vector<16xi32>
        %broadcast_in_dim3A = vector.broadcast %squeeze3A_7 : i32 to vector<16xi32>
        %select_n3A_702 = arith.select %eq3A_701, %broadcast_in_dim3A, %get3A_699 : vector<16xi1>, vector<16xi32>
        %swap3A = arith.index_cast %mul3A_695 : i32 to index
        %swap3A_703 = tpu.vector_load %arg10[%swap3A] {strides = array<i32>} : memref<16384xi32, #tpu.memory_space<vmem>>, vector<16xi32>,
        %swap3A_704 = vector.shape_cast %swap3A_703 : vector<16xi32> to vector<16xi32>
        %swap3A_705 = vector.shape_cast %select_n3A_702 : vector<16xi32> to vector<16xi32>
        tpu.vector_store %arg10[%swap3A], %swap3A_705 {strides = array<i32>} : memref<16384xi32, #tpu.memory_space<vmem>>, vector<16xi32>,
      } else {
      }
      %dma_start3A_612 = arith.constant 16384 : i32
      %dma_start3A_613 = tpu.memref_slice %arg8[%dma_start3A_612] : memref<65536xi32, #tpu.memory_space<hbm>> -> memref<16384xi32, #tpu.memory_space<hbm>>
      %dma_start3A_614 = arith.constant 16384 : i32
      %dma_start3A_615 = tpu.memref_slice %arg8[%dma_start3A_614] : memref<65536xi32, #tpu.memory_space<hbm>> -> memref<16384xi32, #tpu.memory_space<hbm>>
      tpu.enqueue_dma source(%arg10 : memref<16384xi32, #tpu.memory_space<vmem>>) target(%dma_start3A_615 : memref<16384xi32, #tpu.memory_space<hbm>>) target_semaphore(%arg16 : memref<!tpu.dma_semaphore, #tpu.memory_space<semaphore_mem>>)
      %dma_wait3A_616 = arith.constant 16384 : i32
      %dma_wait3A_617 = tpu.memref_slice %arg8[%dma_wait3A_616] : memref<65536xi32, #tpu.memory_space<hbm>> -> memref<16384xi32, #tpu.memory_space<hbm>>
      %dma_wait3A_618 = arith.constant 16384 : i32
      %dma_wait3A_619 = tpu.memref_slice %arg8[%dma_wait3A_618] : memref<65536xi32, #tpu.memory_space<hbm>> -> memref<16384xi32, #tpu.memory_space<hbm>>
      tpu.wait_dma2 semaphore(%arg16 : memref<!tpu.dma_semaphore, #tpu.memory_space<semaphore_mem>>) src(%arg10 : memref<16384xi32, #tpu.memory_space<vmem>>) dst(%dma_wait3A_619 : memref<16384xi32, #tpu.memory_space<hbm>>)
      %dma_start3A_620 = arith.constant 32768 : i32
      %dma_start3A_621 = tpu.memref_slice %arg6[%dma_start3A_620] : memref<65536xi32, #tpu.memory_space<hbm>> -> memref<16384xi32, #tpu.memory_space<hbm>>
      %dma_start3A_622 = arith.constant 32768 : i32
      %dma_start3A_623 = tpu.memref_slice %arg6[%dma_start3A_622] : memref<65536xi32, #tpu.memory_space<hbm>> -> memref<16384xi32, #tpu.memory_space<hbm>>
      tpu.enqueue_dma source(%dma_start3A_623 : memref<16384xi32, #tpu.memory_space<hbm>>) target(%arg10 : memref<16384xi32, #tpu.memory_space<vmem>>) target_semaphore(%arg16 : memref<!tpu.dma_semaphore, #tpu.memory_space<semaphore_mem>>)
      %dma_wait3A_624 = arith.constant 32768 : i32
      %dma_wait3A_625 = tpu.memref_slice %arg6[%dma_wait3A_624] : memref<65536xi32, #tpu.memory_space<hbm>> -> memref<16384xi32, #tpu.memory_space<hbm>>
      %dma_wait3A_626 = arith.constant 32768 : i32
      %dma_wait3A_627 = tpu.memref_slice %arg6[%dma_wait3A_626] : memref<65536xi32, #tpu.memory_space<hbm>> -> memref<16384xi32, #tpu.memory_space<hbm>>
      tpu.wait_dma2 semaphore(%arg16 : memref<!tpu.dma_semaphore, #tpu.memory_space<semaphore_mem>>) src(%dma_wait3A_627 : memref<16384xi32, #tpu.memory_space<hbm>>) dst(%arg10 : memref<16384xi32, #tpu.memory_space<vmem>>)
      %ge3A_628 = arith.constant 32768 : i32
      %ge3A_629 = arith.cmpi sge, %squeeze3A, %ge3A_628 : i32
      %lt3A_630 = arith.constant 49152 : i32
      %lt3A_631 = arith.cmpi slt, %squeeze3A, %lt3A_630 : i32
      %and3A_632 = arith.andi %ge3A_629, %lt3A_631 : i1
      %convert_element_type3A_633 = arith.extui %and3A_632 : i1 to i32
      %cond3A_634 = arith.constant 0 : i32
      %cond3A_635 = arith.cmpi ne, %convert_element_type3A_633, %cond3A_634 : i32
      scf.if %cond3A_635 {
        %sub3A_668 = arith.constant 32768 : i32
        %sub3A_669 = arith.subi %squeeze3A, %sub3A_668 : i32
        %jit3A_670 = arith.constant 16 : i32
        %div3A_671 = arith.divsi %sub3A_669, %jit3A_670 : i32
        %sign3A_672 = arith.constant 0 : i32
        %sign3A_673 = arith.cmpi sgt, %sub3A_669, %sign3A_672 : i32
        %sign3A_674 = arith.extui %sign3A_673 : i1 to i32
        %sign3A_675 = arith.constant 0 : i32
        %sign3A_676 = arith.cmpi slt, %sub3A_669, %sign3A_675 : i32
        %sign3A_677 = arith.extui %sign3A_676 : i1 to i32
        %sign3A_678 = arith.subi %sign3A_674, %sign3A_677 : i32
        %sign3A_679 = arith.constant 0 : i32
        %sign3A_680 = arith.cmpi sgt, %jit3A_670, %sign3A_679 : i32
        %sign3A_681 = arith.extui %sign3A_680 : i1 to i32
        %sign3A_682 = arith.constant 0 : i32
        %sign3A_683 = arith.cmpi slt, %jit3A_670, %sign3A_682 : i32
        %sign3A_684 = arith.extui %sign3A_683 : i1 to i32
        %sign3A_685 = arith.subi %sign3A_681, %sign3A_684 : i32
        %ne3A_686 = arith.cmpi ne, %sign3A_678, %sign3A_685 : i32
        %rem3A_687 = arith.remsi %sub3A_669, %jit3A_670 : i32
        %ne3A_688 = arith.constant 0 : i32
        %ne3A_689 = arith.cmpi ne, %rem3A_687, %ne3A_688 : i32
        %and3A_690 = arith.andi %ne3A_686, %ne3A_689 : i1
        %sub3A_691 = arith.constant 1 : i32
        %sub3A_692 = arith.subi %div3A_671, %sub3A_691 : i32
        %select_n3A_693 = arith.select %and3A_690, %sub3A_692, %div3A_671 : i32
        %mul3A_694 = arith.constant 16 : i32
        %mul3A_695 = arith.muli %select_n3A_693, %mul3A_694 : i32
        %sub3A_696 = arith.subi %sub3A_669, %mul3A_695 : i32
        %get3A_697 = arith.index_cast %mul3A_695 : i32 to index
        %get3A_698 = tpu.vector_load %arg10[%get3A_697] {strides = array<i32>} : memref<16384xi32, #tpu.memory_space<vmem>>, vector<16xi32>,
        %get3A_699 = vector.shape_cast %get3A_698 : vector<16xi32> to vector<16xi32>
        %iota3A = tpu.iota {dimensions = array<i32: 0>} : vector<16xi32>
        %eq3A_700 = vector.broadcast %sub3A_696 : i32 to vector<16xi32>
        %eq3A_701 = arith.cmpi eq, %iota3A, %eq3A_700 : vector<16xi32>
        %broadcast_in_dim3A = vector.broadcast %squeeze3A_7 : i32 to vector<16xi32>
        %select_n3A_702 = arith.select %eq3A_701, %broadcast_in_dim3A, %get3A_699 : vector<16xi1>, vector<16xi32>
        %swap3A = arith.index_cast %mul3A_695 : i32 to index
        %swap3A_703 = tpu.vector_load %arg10[%swap3A] {strides = array<i32>} : memref<16384xi32, #tpu.memory_space<vmem>>, vector<16xi32>,
        %swap3A_704 = vector.shape_cast %swap3A_703 : vector<16xi32> to vector<16xi32>
        %swap3A_705 = vector.shape_cast %select_n3A_702 : vector<16xi32> to vector<16xi32>
        tpu.vector_store %arg10[%swap3A], %swap3A_705 {strides = array<i32>} : memref<16384xi32, #tpu.memory_space<vmem>>, vector<16xi32>,
      } else {
      }
      %dma_start3A_636 = arith.constant 32768 : i32
      %dma_start3A_637 = tpu.memref_slice %arg8[%dma_start3A_636] : memref<65536xi32, #tpu.memory_space<hbm>> -> memref<16384xi32, #tpu.memory_space<hbm>>
      %dma_start3A_638 = arith.constant 32768 : i32
      %dma_start3A_639 = tpu.memref_slice %arg8[%dma_start3A_638] : memref<65536xi32, #tpu.memory_space<hbm>> -> memref<16384xi32, #tpu.memory_space<hbm>>
      tpu.enqueue_dma source(%arg10 : memref<16384xi32, #tpu.memory_space<vmem>>) target(%dma_start3A_639 : memref<16384xi32, #tpu.memory_space<hbm>>) target_semaphore(%arg16 : memref<!tpu.dma_semaphore, #tpu.memory_space<semaphore_mem>>)
      %dma_wait3A_640 = arith.constant 32768 : i32
      %dma_wait3A_641 = tpu.memref_slice %arg8[%dma_wait3A_640] : memref<65536xi32, #tpu.memory_space<hbm>> -> memref<16384xi32, #tpu.memory_space<hbm>>
      %dma_wait3A_642 = arith.constant 32768 : i32
      %dma_wait3A_643 = tpu.memref_slice %arg8[%dma_wait3A_642] : memref<65536xi32, #tpu.memory_space<hbm>> -> memref<16384xi32, #tpu.memory_space<hbm>>
      tpu.wait_dma2 semaphore(%arg16 : memref<!tpu.dma_semaphore, #tpu.memory_space<semaphore_mem>>) src(%arg10 : memref<16384xi32, #tpu.memory_space<vmem>>) dst(%dma_wait3A_643 : memref<16384xi32, #tpu.memory_space<hbm>>)
      %dma_start3A_644 = arith.constant 49152 : i32
      %dma_start3A_645 = tpu.memref_slice %arg6[%dma_start3A_644] : memref<65536xi32, #tpu.memory_space<hbm>> -> memref<16384xi32, #tpu.memory_space<hbm>>
      %dma_start3A_646 = arith.constant 49152 : i32
      %dma_start3A_647 = tpu.memref_slice %arg6[%dma_start3A_646] : memref<65536xi32, #tpu.memory_space<hbm>> -> memref<16384xi32, #tpu.memory_space<hbm>>
      tpu.enqueue_dma source(%dma_start3A_647 : memref<16384xi32, #tpu.memory_space<hbm>>) target(%arg10 : memref<16384xi32, #tpu.memory_space<vmem>>) target_semaphore(%arg16 : memref<!tpu.dma_semaphore, #tpu.memory_space<semaphore_mem>>)
      %dma_wait3A_648 = arith.constant 49152 : i32
      %dma_wait3A_649 = tpu.memref_slice %arg6[%dma_wait3A_648] : memref<65536xi32, #tpu.memory_space<hbm>> -> memref<16384xi32, #tpu.memory_space<hbm>>
      %dma_wait3A_650 = arith.constant 49152 : i32
      %dma_wait3A_651 = tpu.memref_slice %arg6[%dma_wait3A_650] : memref<65536xi32, #tpu.memory_space<hbm>> -> memref<16384xi32, #tpu.memory_space<hbm>>
      tpu.wait_dma2 semaphore(%arg16 : memref<!tpu.dma_semaphore, #tpu.memory_space<semaphore_mem>>) src(%dma_wait3A_651 : memref<16384xi32, #tpu.memory_space<hbm>>) dst(%arg10 : memref<16384xi32, #tpu.memory_space<vmem>>)
      %ge3A_652 = arith.constant 49152 : i32
      %ge3A_653 = arith.cmpi sge, %squeeze3A, %ge3A_652 : i32
      %lt3A_654 = arith.constant 65536 : i32
      %lt3A_655 = arith.cmpi slt, %squeeze3A, %lt3A_654 : i32
      %and3A_656 = arith.andi %ge3A_653, %lt3A_655 : i1
      %convert_element_type3A_657 = arith.extui %and3A_656 : i1 to i32
      %cond3A_658 = arith.constant 0 : i32
      %cond3A_659 = arith.cmpi ne, %convert_element_type3A_657, %cond3A_658 : i32
      scf.if %cond3A_659 {
        %sub3A_668 = arith.constant 49152 : i32
        %sub3A_669 = arith.subi %squeeze3A, %sub3A_668 : i32
        %jit3A_670 = arith.constant 16 : i32
        %div3A_671 = arith.divsi %sub3A_669, %jit3A_670 : i32
        %sign3A_672 = arith.constant 0 : i32
        %sign3A_673 = arith.cmpi sgt, %sub3A_669, %sign3A_672 : i32
        %sign3A_674 = arith.extui %sign3A_673 : i1 to i32
        %sign3A_675 = arith.constant 0 : i32
        %sign3A_676 = arith.cmpi slt, %sub3A_669, %sign3A_675 : i32
        %sign3A_677 = arith.extui %sign3A_676 : i1 to i32
        %sign3A_678 = arith.subi %sign3A_674, %sign3A_677 : i32
        %sign3A_679 = arith.constant 0 : i32
        %sign3A_680 = arith.cmpi sgt, %jit3A_670, %sign3A_679 : i32
        %sign3A_681 = arith.extui %sign3A_680 : i1 to i32
        %sign3A_682 = arith.constant 0 : i32
        %sign3A_683 = arith.cmpi slt, %jit3A_670, %sign3A_682 : i32
        %sign3A_684 = arith.extui %sign3A_683 : i1 to i32
        %sign3A_685 = arith.subi %sign3A_681, %sign3A_684 : i32
        %ne3A_686 = arith.cmpi ne, %sign3A_678, %sign3A_685 : i32
        %rem3A_687 = arith.remsi %sub3A_669, %jit3A_670 : i32
        %ne3A_688 = arith.constant 0 : i32
        %ne3A_689 = arith.cmpi ne, %rem3A_687, %ne3A_688 : i32
        %and3A_690 = arith.andi %ne3A_686, %ne3A_689 : i1
        %sub3A_691 = arith.constant 1 : i32
        %sub3A_692 = arith.subi %div3A_671, %sub3A_691 : i32
        %select_n3A_693 = arith.select %and3A_690, %sub3A_692, %div3A_671 : i32
        %mul3A_694 = arith.constant 16 : i32
        %mul3A_695 = arith.muli %select_n3A_693, %mul3A_694 : i32
        %sub3A_696 = arith.subi %sub3A_669, %mul3A_695 : i32
        %get3A_697 = arith.index_cast %mul3A_695 : i32 to index
        %get3A_698 = tpu.vector_load %arg10[%get3A_697] {strides = array<i32>} : memref<16384xi32, #tpu.memory_space<vmem>>, vector<16xi32>,
        %get3A_699 = vector.shape_cast %get3A_698 : vector<16xi32> to vector<16xi32>
        %iota3A = tpu.iota {dimensions = array<i32: 0>} : vector<16xi32>
        %eq3A_700 = vector.broadcast %sub3A_696 : i32 to vector<16xi32>
        %eq3A_701 = arith.cmpi eq, %iota3A, %eq3A_700 : vector<16xi32>
        %broadcast_in_dim3A = vector.broadcast %squeeze3A_7 : i32 to vector<16xi32>
        %select_n3A_702 = arith.select %eq3A_701, %broadcast_in_dim3A, %get3A_699 : vector<16xi1>, vector<16xi32>
        %swap3A = arith.index_cast %mul3A_695 : i32 to index
        %swap3A_703 = tpu.vector_load %arg10[%swap3A] {strides = array<i32>} : memref<16384xi32, #tpu.memory_space<vmem>>, vector<16xi32>,
        %swap3A_704 = vector.shape_cast %swap3A_703 : vector<16xi32> to vector<16xi32>
        %swap3A_705 = vector.shape_cast %select_n3A_702 : vector<16xi32> to vector<16xi32>
        tpu.vector_store %arg10[%swap3A], %swap3A_705 {strides = array<i32>} : memref<16384xi32, #tpu.memory_space<vmem>>, vector<16xi32>,
      } else {
      }
      %dma_start3A_660 = arith.constant 49152 : i32
      %dma_start3A_661 = tpu.memref_slice %arg8[%dma_start3A_660] : memref<65536xi32, #tpu.memory_space<hbm>> -> memref<16384xi32, #tpu.memory_space<hbm>>
      %dma_start3A_662 = arith.constant 49152 : i32
      %dma_start3A_663 = tpu.memref_slice %arg8[%dma_start3A_662] : memref<65536xi32, #tpu.memory_space<hbm>> -> memref<16384xi32, #tpu.memory_space<hbm>>
      tpu.enqueue_dma source(%arg10 : memref<16384xi32, #tpu.memory_space<vmem>>) target(%dma_start3A_663 : memref<16384xi32, #tpu.memory_space<hbm>>) target_semaphore(%arg16 : memref<!tpu.dma_semaphore, #tpu.memory_space<semaphore_mem>>)
      %dma_wait3A_664 = arith.constant 49152 : i32
      %dma_wait3A_665 = tpu.memref_slice %arg8[%dma_wait3A_664] : memref<65536xi32, #tpu.memory_space<hbm>> -> memref<16384xi32, #tpu.memory_space<hbm>>
      %dma_wait3A_666 = arith.constant 49152 : i32
      %dma_wait3A_667 = tpu.memref_slice %arg8[%dma_wait3A_666] : memref<65536xi32, #tpu.memory_space<hbm>> -> memref<16384xi32, #tpu.memory_space<hbm>>
      tpu.wait_dma2 semaphore(%arg16 : memref<!tpu.dma_semaphore, #tpu.memory_space<semaphore_mem>>) src(%arg10 : memref<16384xi32, #tpu.memory_space<vmem>>) dst(%dma_wait3A_667 : memref<16384xi32, #tpu.memory_space<hbm>>)
    } else {
    }
    return
  }
}

module attributes {stable_mosaic.version = 14 : i64} {
  func.func @_cam_body(%arg0: i32, %arg1: memref<1xi32, #tpu.memory_space<smem>>, %arg2: memref<32x32x1xf32, #tpu.memory_space<vmem>>, %arg3: memref<32x32x2048xf32, #tpu.memory_space<vmem>>, %arg4: memref<32x32x2048xf32, #tpu.memory_space<vmem>>) attributes {dimension_semantics = [#tpu.dimension_semantics<arbitrary>], iteration_bounds = array<i64: 32>, scalar_prefetch = 0 : i64, scratch_operands = 0 : i64, tpu.core_type = #tpu.core_type<tc>, window_params = [{transform_indices = @transform_0, window_bounds = array<i64: 1>}, {pipeline_mode = #tpu.pipeline_mode<synchronous>, transform_indices = @transform_1, window_bounds = array<i64: 32, 32, 1>}, {transform_indices = @transform_2, window_bounds = array<i64: 32, 32, 2048>}, {transform_indices = @transform_3, window_bounds = array<i64: 32, 32, 2048>}]} {
    %mul3A = arith.constant 2048 : i32
    %mul3A_0 = arith.muli %arg0, %mul3A : i32
    %get3A = arith.constant 0 : index
    %get3A_1 = memref.load %arg1[%get3A] : memref<1xi32, #tpu.memory_space<smem>>
    %sub3A = arith.subi %get3A_1, %mul3A_0 : i32
    %ge3A = arith.cmpi sge, %get3A_1, %mul3A_0 : i32
    %add3A = arith.constant 2048 : i32
    %add3A_2 = arith.addi %mul3A_0, %add3A : i32
    %lt3A = arith.cmpi slt, %get3A_1, %add3A_2 : i32
    %and3A = arith.andi %ge3A, %lt3A : i1
    %convert_element_type3A = arith.extui %and3A : i1 to i32
    %cond3A = arith.constant 0 : i32
    %cond3A_3 = arith.cmpi ne, %convert_element_type3A, %cond3A : i32
    scf.if %cond3A_3 {
      %iota3A = tpu.iota {dimensions = array<i32: 2>} : vector<32x32x2048xi32>
      %eq3A = vector.broadcast %sub3A : i32 to vector<32x32x2048xi32>
      %eq3A_8 = arith.cmpi eq, %iota3A, %eq3A : vector<32x32x2048xi32>
      %get3A_9 = arith.constant 0 : index
      %get3A_10 = arith.constant 0 : index
      %get3A_11 = arith.constant 0 : index
      %get3A_12 = vector.load %arg2[%get3A_9, %get3A_10, %get3A_11] : memref<32x32x1xf32, #tpu.memory_space<vmem>>, vector<32x32x1xf32>
      %get3A_13 = arith.constant 0 : index
      %get3A_14 = arith.constant 0 : index
      %get3A_15 = arith.constant 0 : index
      %get3A_16 = vector.load %arg3[%get3A_13, %get3A_14, %get3A_15] : memref<32x32x2048xf32, #tpu.memory_space<vmem>>, vector<32x32x2048xf32>
      %broadcast_in_dim3A = vector.shape_cast %get3A_12 : vector<32x32x1xf32> to vector<32x32x1xf32>
      %broadcast_in_dim3A_17 = vector.broadcast %broadcast_in_dim3A : vector<32x32x1xf32> to vector<32x32x2048xf32>
      %select_n3A = arith.select %eq3A_8, %broadcast_in_dim3A_17, %get3A_16 : vector<32x32x2048xi1>, vector<32x32x2048xf32>
      %swap3A = arith.constant 0 : index
      %swap3A_18 = arith.constant 0 : index
      %swap3A_19 = arith.constant 0 : index
      %swap3A_20 = vector.load %arg4[%swap3A, %swap3A_18, %swap3A_19] : memref<32x32x2048xf32, #tpu.memory_space<vmem>>, vector<32x32x2048xf32>
      tpu.vector_store %arg4[%swap3A, %swap3A_18, %swap3A_19], %select_n3A {strides = array<i32>} : memref<32x32x2048xf32, #tpu.memory_space<vmem>>, vector<32x32x2048xf32>,
    } else {
    }
    %not3A = arith.constant true
    %not3A_4 = arith.xori %and3A, %not3A : i1
    %convert_element_type3A_5 = arith.extui %not3A_4 : i1 to i32
    %cond3A_6 = arith.constant 0 : i32
    %cond3A_7 = arith.cmpi ne, %convert_element_type3A_5, %cond3A_6 : i32
    scf.if %cond3A_7 {
      %get3A_8 = arith.constant 0 : index
      %get3A_9 = arith.constant 0 : index
      %get3A_10 = arith.constant 0 : index
      %get3A_11 = vector.load %arg3[%get3A_8, %get3A_9, %get3A_10] : memref<32x32x2048xf32, #tpu.memory_space<vmem>>, vector<32x32x2048xf32>
      %swap3A = arith.constant 0 : index
      %swap3A_12 = arith.constant 0 : index
      %swap3A_13 = arith.constant 0 : index
      %swap3A_14 = vector.load %arg4[%swap3A, %swap3A_12, %swap3A_13] : memref<32x32x2048xf32, #tpu.memory_space<vmem>>, vector<32x32x2048xf32>
      tpu.vector_store %arg4[%swap3A, %swap3A_12, %swap3A_13], %get3A_11 {strides = array<i32>} : memref<32x32x2048xf32, #tpu.memory_space<vmem>>, vector<32x32x2048xf32>,
    } else {
    }
    return
  }
  func.func @transform_0(%arg0: i32) -> i32 {
    %c0_i32 = arith.constant 0 : i32
    %c0_i32_0 = arith.constant 0 : i32
    return %c0_i32 : i32
  }
  func.func @transform_1(%arg0: i32) -> (i32, i32, i32) {
    %c0_i32 = arith.constant 0 : i32
    %c0_i32_0 = arith.constant 0 : i32
    %c0_i32_1 = arith.constant 0 : i32
    %c0_i32_2 = arith.constant 0 : i32
    return %c0_i32, %c0_i32_0, %c0_i32_1 : i32, i32, i32
  }
  func.func @transform_2(%arg0: i32) -> (i32, i32, i32) {
    %c0_i32 = arith.constant 0 : i32
    %c0_i32_0 = arith.constant 0 : i32
    %c0_i32_1 = arith.constant 0 : i32
    return %c0_i32, %c0_i32_0, %arg0 : i32, i32, i32
  }
  func.func @transform_3(%arg0: i32) -> (i32, i32, i32) {
    %c0_i32 = arith.constant 0 : i32
    %c0_i32_0 = arith.constant 0 : i32
    %c0_i32_1 = arith.constant 0 : i32
    return %c0_i32, %c0_i32_0, %arg0 : i32, i32, i32
  }
}

</mosaic_0001>

<sc_bundles>
// kernel: kernel.4.cloned.1.call-start
scs
__scs_entry_jumppad:
0x0: {  	(pc) =	sbr.rel $0x88, $3  }
0x1: {  	(tag) =	ssettag $0x0;
	lr =	simm.s32 $0x1  }
0x2: {  	[smem:$0x3F9A] =	sst lr;
	_ =	strace $0xD0000000  }
0x3: {  	_ = 	snop  }
0x4: {  	_ = 	snop  }
0x5: {  	_ = 	snop  }
0x6: {  	_ = 	snop  }
0x7: {  	_ = 	snop  }
__scs_overlays_trampoline_lowered:
0x8: {  	[smem:$0x3FA9] =	sst s0  }
0x9: {  	[smem:$0x3FAA] =	sst s1  }
0xa: {  	[smem:$0x3FAB] =	sst s2  }
0xb: {  	[smem:$0x3FAC] =	sst s3  }
0xc: {  	[smem:$0x3FAD] =	sst s4  }
0xd: {  	[smem:$0x3FAE] =	sst s5  }
0xe: {  	[smem:$0x3FAF] =	sst s6  }
0xf: {  	[smem:$0x3FB0] =	sst s7  }
0x10: {  	[smem:$0x3FB1] =	sst s8  }
0x11: {  	[smem:$0x3FB2] =	sst s9;
	s0 =	simm.s32 @!p0 $0x0  }
0x12: {  	s1 =	sld [smem:$0x3F98];
	s0 =	simm.s32 @p0 $0x1  }
0x13: {  	[smem:$0x3FB3] =	sst s0;
	s0 =	simm.s32 @!p1 $0x0  }
0x14: {  	s2 =	sld [smem:$0x3F97];
	s0 =	simm.s32 @p1 $0x1  }
0x15: {  	[smem:$0x3FB4] =	sst s0;
	s0 =	simm.s32 @!p2 $0x0  }
0x16: {  	s3 =	sld [smem:$0x3FDB];
	s0 =	simm.s32 @p2 $0x1  }
0x17: {  	s4 =	simm.s32 $0x1BF5;
	[smem:$0x3FB6] =	sst s0  }
0x18: {  	s0 =	sld [smem:$0x3F99];
	_ =	swait.ge [sflag:s4], $0x0  }
0x19: {  	s7 =	sld [smem:$0x3F9A]  }
0x1a: {  	s8 =	sadd.s32 $0xFFFFE003, lr  }
0x1b: {  	s9 =	sadd.s32 $0xFFFFFEF7, lr;
	s5 =	simm.s32 $0xFFFFFFFF;
	p2 =	slt.u32 s8, $0xFFFFF086  }
0x1c: {  	p1 =	slt.u32 s9, $0xF7A;
	s5 =	simm.s32 @!p2 $0x0  }
0x1d: {  	s5 =	simm.s32 @p1 $0x1;
	p0 =	seq.s32 s7, s2  }
0x1e: {  	s7 =	smul.u32 @!p0 $0xF7A, s2;
	p2 =	seq.s32 @!p0 s5, $0x0  }
0x1f: {  	s9 =	smul.u32 $0xF7A, s1;
	s8 =	simm.s32 @!p0 $0x1BF5;
	p2 =	por !p2, p0  }
0x20: {  	[sflag:s8] =	ssyncset.s32 @!p0 $0xFFFFF086;
	s6 =	sadd.s32 @!p0 s3, s7;
	s7 =	simm.s32 @!p0 $0x108  }
0x21: {  	s3 =	sadd.s32 s3, s9;
	s6 =	sadd.s32 @!p0 $0x88, s6;
	s7 =	simm.s32 @p2 $0x1082  }
0x22: {  	[simem:s7], [sflag:s8] =	dma.local @!p0 [hbm:s6], $0xF7A  }
0x23: {  	s9 =	sor.u32 $0xD0000000, s2;
	s6 =	simm.s32 $0x108;
	_ =	swait.ge @!p0 [sflag:s8], $0x0  }
0x24: {  	s3 =	sadd.s32 $0x88, s3;
	s6 =	simm.s32 @!p1 $0x1082;
	[sflag:s4] =	ssyncset.s32 $0xFFFFF086  }
0x25: {  	[simem:s6], [sflag:s4] =	dma.local [hbm:s3], $0xF7A  }
0x26: {  	[smem:$0x3F9A] =	sst s1;
	(tag) =	ssettag s2;
	_ =	strace s9  }
0x27: {  	s1 =	sld [smem:$0x3FAA]  }
0x28: {  	s2 =	sld [smem:$0x3FAB]  }
0x29: {  	s4 =	sld [smem:$0x3FAD]  }
0x2a: {  	p0 =	seq.s32 s5, $0x0;
	s5 =	sld [smem:$0x3FAE]  }
0x2b: {  	s6 =	sld [smem:$0x3FAF]  }
0x2c: {  	s7 =	sld [smem:$0x3FB0]  }
0x2d: {  	s3 =	simm.s32 $0x108;
	s8 =	sld [smem:$0x3FB1]  }
0x2e: {  	s3 =	simm.s32 @!p0 $0x1082;
	s9 =	sld [smem:$0x3FB2]  }
0x2f: {  	lr =	sadd.s32 s0, s3;
	s0 =	sld [smem:$0x3FA9]  }
0x30: {  	s3 =	sld [smem:$0x3FAC]  }
0x31: {  	[smem:$0x3FB5] =	sst s10  }
0x32: {  	s10 =	sld [smem:$0x3FB3];
	_ =	sdelay $0x3  }
0x33: {  	p0 =	seq.s32 s10, $0x1;
	s10 =	sld [smem:$0x3FB5];
	_ =	sdelay $0x3  }
0x34: {  	[smem:$0x3FB5] =	sst s10  }
0x35: {  	s10 =	sld [smem:$0x3FB4];
	_ =	sdelay $0x3  }
0x36: {  	p1 =	seq.s32 s10, $0x1;
	s10 =	sld [smem:$0x3FB5];
	_ =	sdelay $0x3  }
0x37: {  	[smem:$0x3FB5] =	sst s10  }
0x38: {  	s10 =	sld [smem:$0x3FB6]  }
0x39: {  	_ = 	snop;
	(pc) =	sbr.ind lr, $3  }
0x3a: {  	_ = 	snop  }
0x3b: {  	_ = 	snop  }
0x3c: {  	p2 =	seq.s32 s10, $0x1;
	s10 =	sld [smem:$0x3FB5]  }
0x3d: {  	_ =	shalt  }
0x3e: {  	_ =	shalt  }
0x3f: {  	_ =	shalt  }
0x40: {  	_ =	shalt  }
0x41: {  	_ =	shalt  }
0x42: {  	_ =	shalt  }
0x43: {  	_ =	shalt  }
0x44: {  	_ =	shalt  }
0x45: {  	_ =	shalt  }
0x46: {  	_ =	shalt  }
0x47: {  	_ =	shalt  }
0x48: {  	_ =	shalt  }
0x49: {  	_ =	shalt  }
0x4a: {  	_ =	shalt  }
0x4b: {  	_ =	shalt  }
0x4c: {  	_ =	shalt  }
0x4d: {  	_ =	shalt  }
0x4e: {  	_ =	shalt  }
0x4f: {  	_ =	shalt  }
0x50: {  	_ =	shalt  }
0x51: {  	_ =	shalt  }
0x52: {  	_ =	shalt  }
0x53: {  	_ =	shalt  }
0x54: {  	_ =	shalt  }
0x55: {  	_ =	shalt  }
0x56: {  	_ =	shalt  }
0x57: {  	_ =	shalt  }
0x58: {  	_ =	shalt  }
0x59: {  	_ =	shalt  }
0x5a: {  	_ =	shalt  }
0x5b: {  	_ =	shalt  }
0x5c: {  	_ =	shalt  }
0x5d: {  	_ =	shalt  }
0x5e: {  	_ =	shalt  }
0x5f: {  	_ =	shalt  }
0x60: {  	_ =	shalt  }
0x61: {  	_ =	shalt  }
0x62: {  	_ =	shalt  }
0x63: {  	_ =	shalt  }
0x64: {  	_ =	shalt  }
0x65: {  	_ =	shalt  }
0x66: {  	_ =	shalt  }
0x67: {  	_ =	shalt  }
0x68: {  	_ =	shalt  }
0x69: {  	_ =	shalt  }
0x6a: {  	_ =	shalt  }
0x6b: {  	_ =	shalt  }
0x6c: {  	_ =	shalt  }
0x6d: {  	_ =	shalt  }
0x6e: {  	_ =	shalt  }
0x6f: {  	_ =	shalt  }
0x70: {  	_ =	shalt  }
0x71: {  	_ =	shalt  }
0x72: {  	_ =	shalt  }
0x73: {  	_ =	shalt  }
0x74: {  	_ =	shalt  }
0x75: {  	_ =	shalt  }
0x76: {  	_ =	shalt  }
0x77: {  	_ =	shalt  }
0x78: {  	_ =	shalt  }
0x79: {  	_ =	shalt  }
0x7a: {  	_ =	shalt  }
0x7b: {  	_ =	shalt  }
0x7c: {  	_ =	shalt  }
0x7d: {  	_ =	shalt  }
0x7e: {  	_ =	shalt  }
0x7f: {  	_ =	shalt  }
0x80: {  	_ =	shalt  }
0x81: {  	_ =	shalt  }
0x82: {  	_ =	shalt  }
0x83: {  	_ =	shalt  }
0x84: {  	_ =	shalt  }
0x85: {  	_ =	shalt  }
0x86: {  	_ =	shalt  }
0x87: {  	_ =	shalt  }
.Lfunc_end0:
.L_simem_size_0:
called_computation_lowered:
.L_overlay_start_0:
0x88: {  	s2 =	sld [smem:$0x3FD9]  }
0x89: {  	s3 =	sld [smem:$0x3FFE];
	_ =	sdelay $0x1  }
0x8a: {  	s1 =	srdreg.scid  }
0x8b: {  	s0 =	sand.u32 $0x1, s1  }
0x8c: {  	s14 =	sshll.u32 s0, $0xA;
	s2 =	sadd.s32 s3, s2  }
0x8d: {  	s2 =	sadd.s32 s2, s14  }
0x8e: {  	[smem:$0x3FC1] =	sst s2  }
0x8f: {  	_ = 	snop  }
0x90: {  	s2 =	sld [smem:$0x3FD0]  }
0x91: {  	s15 =	sld [smem:$0x3FC9]  }
0x92: {  	s4 =	sld [smem:$0x3FC7]  }
0x93: {  	s6 =	simm.s32 $0xA;
	s7 =	simm.s32 $0x10;
	s5 =	sld [smem:$0x3FC5]  }
0x94: {  	[smem:s7], [sflag:s6] =	dma.local [hbm:s2], $0x1  }
0x95: {  	_ =	swait.eq [sflag:s6], $0x1  }
0x96: {  	[sflag:s6] =	ssyncset.done $0x0  }
0x97: {  	s16 =	sld [smem:$0x10];
	[sflag:s6] =	ssyncadd.s32 $0xFFFFFFFF  }
0x98: {  	s17 =	sld [smem:$0x12];
	(tm) =	ssettm $0x1  }
0x99: {  	s18 =	sld [smem:$0x3FFB];
	_ =	sdelay $0x3  }
0x9a: {  	_ =	strace s18  }
0x9b: {  	s7 =	sld [smem:$0x3FFC];
	_ =	sdelay $0x3  }
0x9c: {  	_ =	strace s7  }
0x9d: {  	s7 =	sld [smem:$0x3FFD];
	_ =	sdelay $0x3  }
0x9e: {  	_ =	strace s7  }
0x9f: {  	_ =	strace $0x8FFFFFFF  }
0xa0: {  	s19 =	sld [smem:$0x3FDB];
	_ =	sdelay $0x1  }
0xa1: {  	s8 =	simm.s32 $_scs_section_size  }
0xa2: {  	s9 =	simm.s32 $_size__tile_overlayer_lowered;
	s10 =	simm.s32 $_tile_overlayer_lowered  }
0xa3: {  	s22 =	simm.s32 $0x1BFF;
	s21 =	sshll.u32 s10, $0x1;
	s7 =	sadd.s32 s8, s19  }
0xa4: {  	s11 =	simm.s32 $0x0;
	s20 =	sshll.u32 s9, $0x1;
	s9 =	sadd.s32 s21, s7  }
0xa5: {  	[timem:s11], [sflag:s22] =	dma.local [hbm:s9], s20  }
0xa6: {  	_ =	swait.ge [sflag:s22], s20  }
0xa7: {  	s8 =	ssub.s32 $0x0, s20;
	[sflag:s22] =	ssyncset.done $0x0  }
0xa8: {  	[sflag:s22] =	ssyncadd.s32 s8;
	_ =	sdelay $0x1  }
0xa9: {  	s23 =	simm.s32 $0x1B8B  }
0xaa: {  	_ =	swait.ge [sflag:s23], $0x1  }
0xab: {  	[sflag:s23] =	ssyncset.done $0x0  }
0xac: {  	s25 =	simm.s32 $0x1B8E;
	s24 =	sld [smem:$0x3FFE];
	[sflag:s23] =	ssyncadd.s32 $0xFFFFFFFF  }
0xad: {  	s26 =	simm.s32 $execute0_lowered;
	[smem:$0x3FD2] =	sst s25  }
0xae: {  	s9 =	sshll.u32 s26, $0x1;
	_ =	strace $0x80000046;
	[dreg:$0x1] =	wrdreg $0xFFFFFFFF  }
0xaf: {  	s28 =	simm.s32 $_size_execute0_lowered;
	s7 =	sadd.s32 s7, s9;
	[dreg:$0x0] =	wrdreg $0x0  }
0xb0: {  	s9 =	sshll.u32 s28, $0x1;
	[dreg:$0x2] =	wrdreg s7  }
0xb1: {  	[dreg:$0x3] =	wrdreg s9  }
0xb2: {  	[dreg:$0x4] =	wrdreg $0xC0  }
0xb3: {  	_ =	task [dreg:s11], $0x5FFFF  }
0xb4: {  	[dreg:$0x1] =	wrdreg $0xFFFFFFFF  }
0xb5: {  	[dreg:$0x0] =	wrdreg $0x60  }
0xb6: {  	[dreg:$0x2] =	wrdreg s24  }
0xb7: {  	[dreg:$0x3] =	wrdreg s5  }
0xb8: {  	[dreg:$0x4] =	wrdreg s15  }
0xb9: {  	[dreg:$0x5] =	wrdreg s4  }
0xba: {  	[dreg:$0x6] =	wrdreg s16  }
0xbb: {  	[dreg:$0x7] =	wrdreg s17  }
0xbc: {  	[dreg:$0x8] =	wrdreg $0x9  }
0xbd: {  	_ =	task.clear_ibuf [dreg:s11], $0x9FFFF;
	_ =	strace $0x90000046  }
0xbe: {  	s29 =	simm.s32 $0x9;
	_ =	strace $0x80000048  }
0xbf: {  	_ =	swait.ge [sflag:s29], $0x1  }
0xc0: {  	[sflag:s29] =	ssyncadd.s32 $0xFFFFFFFF  }
0xc1: {  	_ =	strace $0x90000048  }
0xc2: {  	_ =	sfence  }
0xc3: {  	s30 =	sld [smem:$0x0];
	_ =	sdelay $0x2  }
0xc4: {  	s31 =	sshll.u32 s1, $0xD;
	s1 =	sshrl.u32 s1, $0x2  }
0xc5: {  	s3 =	sand.u32 $0x4000, s31;
	s1 =	sadd.s32 s1, s30  }
0xc6: {  	s0 =	sor.u32 s3, s0;
	s1 =	sshll.u32 s1, $0x11  }
0xc7: {  	s0 =	sor.u32 s1, s0  }
0xc8: {  	s0 =	sadd.s32 $0x8F2B, s0  }
0xc9: {  	[sflag:s0] =	ssyncadd.remote.s32 $0x1  }
0xca: {  	_ =	sfence.sel $0xFFFF  }
0xcb: {  	[dreg:$0x0] =	wrdreg $0xFFFFFFFF;
	(pc) =	sbr.abs _section_cstart, $3  }
0xcc: {  	[dreg:$0x1] =	wrdreg $0xFFFFFFFF  }
0xcd: {  	_ =	task.clear_ibuf [dreg:s11], $0x2FFFF;
	_ =	strace $0x9FFFFFFF  }
0xce: {  	(tm) =	ssettm $0x7FFFFFFF  }
0xcf: {  	_ =	shalt  }
tec
execute0_lowered:
.L_overlay_start_1:
0x0: {  	(tag) =	ssettag $0x1  }
0x1: {  	s0 =	rddreg [dreg:$0x0]  }
0x2: {  	s1 =	rddreg [dreg:$0x2]  }
0x3: {  	s5 =	rddreg [dreg:$0x3]  }
0x4: {  	s7 =	rddreg [dreg:$0x4]  }
0x5: {  	s9 =	rddreg [dreg:$0x5];
	s6 =	simm.s32 $0x0  }
0x6: {  	s2 =	srdreg.scid;
	s3 =	stileid.u32;
	s29 =	simm.s32 $0x8000  }
0x7: {  	s30 =	simm.s32 $0x10000;
	[smem:$0x7FF] =	sst s6;
	s4 =	sadd.s32 $0xA00, s0  }
0x8: {  	s0 =	sadd.s32 $0xC00, s0;
	_ =	strace $0x80000047;
	[dreg:$0x7] =	wrdreg s4  }
0x9: {  	s31 =	simm.s32 $0x1;
	s11 =	sadd.s32 $0x1000, s5;
	[dreg:$0x8] =	wrdreg s0  }
0xa: {  	s28 =	simm.s32 $0x6;
	s12 =	sadd.s32 $0x1000, s9;
	[dreg:$0x10] =	wrdreg s11  }
0xb: {  	s2 =	sand.u32 $0x1, s2;
	s13 =	sadd.s32 $0x1800, s5;
	[dreg:$0x11] =	wrdreg s12  }
0xc: {  	s3 =	sshll.u32 s3, $0x1;
	s14 =	sadd.s32 $0x1800, s9;
	[dreg:$0x12] =	wrdreg s13  }
0xd: {  	s16 =	ssub.s32 $0x2, s2;
	s8 =	sor.u32 s2, s3;
	[dreg:$0x13] =	wrdreg s14  }
0xe: {  	s4 =	simm.s32 $0x8;
	s17 =	sshrl.u32 s16, $0x1;
	s2 =	sshll.u32 s8, $0xF  }
0xf: {  	p0 =	sne.s32 s8, $0x0;
	s0 =	ssub.s32 s16, s17;
	s18 =	sor.u32 $0x1000, s2  }
0x10: {  	s19 =	sor.u32 $0x2000, s2;
	s10 =	sadd.s32 s1, s2;
	s22 =	sadd.s32 s7, s2  }
0x11: {  	s23 =	sor.u32 $0x3000, s2;
	s24 =	sor.u32 $0x4000, s2;
	s25 =	sor.u32 $0x5000, s2  }
0x12: {  	s26 =	sor.u32 $0x6000, s2;
	s2 =	sor.u32 $0x7000, s2;
	[dreg:$0x9] =	wrdreg s10  }
0x13: {  	s20 =	sadd.s32 s1, s18;
	s21 =	sadd.s32 s1, s19;
	[dreg:$0xc] =	wrdreg s22  }
0x14: {  	s3 =	sadd.s32 s7, s18;
	s15 =	sadd.s32 s1, s23;
	s16 =	sadd.s32 s7, s19  }
0x15: {  	s17 =	sadd.s32 s1, s24;
	s18 =	sadd.s32 s7, s23;
	s19 =	sadd.s32 s1, s25  }
0x16: {  	s22 =	sadd.s32 s1, s26;
	s23 =	sadd.s32 s1, s2;
	[dreg:$0xa] =	wrdreg s20  }
0x17: {  	s10 =	sadd.s32 $0x800, s9;
	s1 =	simm.s32 $0x3;
	[dreg:$0xb] =	wrdreg s21  }
.Ltmp0:
0x18: {  	[dreg:$0xd] =	wrdreg s3;
	s20 =	sadd.s32 s7, s24;
	(pc) =	sbr.rel .LBB2_1-.Ltmp0, $4  }
0x19: {  	s21 =	sadd.s32 s7, s25;
	s24 =	sadd.s32 s7, s26;
	s25 =	sadd.s32 s7, s2  }
0x1a: {  	s26 =	smax.u32 s0, $0x1;
	s7 =	sadd.s32 $0x800, s5;
	[dreg:$0xf] =	wrdreg s10  }
0x1b: {  	s0 =	simm.s32 $0x2;
	s5 =	simm.s32 $0x4;
	s2 =	simm.s32 $0x5  }
0x1c: {  	s3 =	simm.s32 $0x18000;
	[dreg:$0xe] =	wrdreg s7;
	s7 =	simm.s32 $0x7  }
.LBB2_3:
0x1d: {  	s26 =	sadd.s32 $0xFFFFFFFF, s26  }
0x1e: {  	p1 =	sne.s32 s26, $0x0  }
.Ltmp1:
0x1f: {  	_ = 	snop;
	(pc) =	sbr.rel @!p1 .LBB2_4-.Ltmp1, $1  }
0x20: {  	_ =	sdelay $0x3  }
.LBB2_1:
0x21: {  	s9 =	rddreg [dreg:$0x7];
	s10 =	simm.s32 $0x1C080  }
0x22: {  	[tilespmem:s10], [sflag:$0x8] =	stream.linear.gather [hbm4b:s9+s6], $0x80, $0x38;
	[tilespmem:$0x1C180] =	vst v63  }
0x23: {  	_ =	swait.ge [sflag:s4], $0x80  }
0x24: {  	[sflag:s4] =	ssyncset.done $0x0  }
0x25: {  	s11 =	simm.s32 $0x1C100;
	s10 =	rddreg [dreg:$0x8];
	[sflag:s4] =	ssyncadd.s32 $0xFFFFFF80  }
0x26: {  	[tilespmem:s11], [sflag:$0x8] =	stream.linear.gather [hbm4b:s10+s6], $0x80, $0x38;
	[tilespmem:$0x1C180] =	vst v63  }
0x27: {  	_ =	swait.ge [sflag:s4], $0x80  }
0x28: {  	[sflag:s4] =	ssyncset.done $0x0  }
0x29: {  	[sflag:s4] =	ssyncadd.s32 $0xFFFFFF80  }
0x2a: {  	v0 =	vld [tilespmem:$0x1C080];
	_ =	sdelay $0x4  }
0x2b: {  	(v2sf) =	vpush v0, $0x0;
	_ =	sdelay $0x8  }
0x2c: {  	s12 =	rddreg [dreg:$0x9]  }
0x2d: {  	v0 =	vld [tilespmem:$0x1C100];
	[tilespmem:s6], [sflag:$0x1] =	stream.linear.gather [hbm4b:s12+s6], $0x8000, $0x38  }
0x2e: {  	s13 =	rddreg [dreg:$0xa]  }
0x2f: {  	[tilespmem:s29], [sflag:$0x2] =	stream.linear.gather [hbm4b:s13+s6], $0x8000, $0x38;
	[tilespmem:$0x1C180] =	vst v63  }
0x30: {  	s14 =	rddreg [dreg:$0xb]  }
0x31: {  	[tilespmem:s30], [sflag:$0x3] =	stream.linear.gather [hbm4b:s14+s6], $0x8000, $0x38;
	[tilespmem:$0x1C180] =	vst v63  }
0x32: {  	s9 =	spop (v2sf)  }
0x33: {  	_ =	swait.ge [sflag:s31], $0x8000  }
0x34: {  	[sflag:s31] =	ssyncset.done $0x0  }
0x35: {  	s11 =	rddreg [dreg:$0xc];
	[sflag:s31] =	ssyncadd.s32 $0xFFFF8000  }
0x36: {  	[hbm4b:s11+s6] =	stream.linear.scatter [tilespmem:s6], [sflag:$0x4], $0x8000, $0x38;
	[tilespmem:$0x1C180] =	vst v63  }
0x37: {  	_ =	swait.ge [sflag:s0], $0x8000  }
0x38: {  	[sflag:s0] =	ssyncset.done $0x0  }
0x39: {  	s12 =	rddreg [dreg:$0xd];
	[sflag:s0] =	ssyncadd.s32 $0xFFFF8000  }
0x3a: {  	[hbm4b:s12+s6] =	stream.linear.scatter [tilespmem:s29], [sflag:$0x5], $0x8000, $0x38;
	[tilespmem:$0x1C180] =	vst v63  }
0x3b: {  	_ =	swait.ge [sflag:s5], $0x8000  }
0x3c: {  	[sflag:s5] =	ssyncset.done $0x0  }
0x3d: {  	[sflag:s5] =	ssyncadd.s32 $0xFFFF8000  }
0x3e: {  	[tilespmem:s6], [sflag:$0x1] =	stream.linear.gather [hbm4b:s15+s6], $0x8000, $0x38;
	[tilespmem:$0x1C180] =	vst v63  }
0x3f: {  	_ =	swait.ge [sflag:s1], $0x8000  }
0x40: {  	[sflag:s1] =	ssyncset.done $0x0  }
0x41: {  	[sflag:s1] =	ssyncadd.s32 $0xFFFF8000  }
0x42: {  	[hbm4b:s16+s6] =	stream.linear.scatter [tilespmem:s30], [sflag:$0x6], $0x8000, $0x38;
	[tilespmem:$0x1C180] =	vst v63  }
0x43: {  	_ =	swait.ge [sflag:s2], $0x8000  }
0x44: {  	[sflag:s2] =	ssyncset.done $0x0  }
0x45: {  	[sflag:s2] =	ssyncadd.s32 $0xFFFF8000  }
0x46: {  	[tilespmem:s29], [sflag:$0x2] =	stream.linear.gather [hbm4b:s17+s6], $0x8000, $0x38;
	[tilespmem:$0x1C180] =	vst v63  }
0x47: {  	_ =	swait.ge [sflag:s31], $0x8000  }
0x48: {  	[sflag:s31] =	ssyncset.done $0x0  }
0x49: {  	[sflag:s31] =	ssyncadd.s32 $0xFFFF8000  }
0x4a: {  	[hbm4b:s18+s6] =	stream.linear.scatter [tilespmem:s6], [sflag:$0x4], $0x8000, $0x38;
	[tilespmem:$0x1C180] =	vst v63  }
0x4b: {  	_ =	swait.ge [sflag:s28], $0x8000  }
0x4c: {  	[sflag:s28] =	ssyncset.done $0x0  }
0x4d: {  	[sflag:s28] =	ssyncadd.s32 $0xFFFF8000  }
0x4e: {  	[tilespmem:s30], [sflag:$0x3] =	stream.linear.gather [hbm4b:s19+s6], $0x8000, $0x38;
	[tilespmem:$0x1C180] =	vst v63  }
0x4f: {  	_ =	swait.ge [sflag:s0], $0x8000  }
0x50: {  	[sflag:s0] =	ssyncset.done $0x0  }
0x51: {  	[sflag:s0] =	ssyncadd.s32 $0xFFFF8000  }
0x52: {  	[hbm4b:s20+s6] =	stream.linear.scatter [tilespmem:s29], [sflag:$0x5], $0x8000, $0x38;
	[tilespmem:$0x1C180] =	vst v63  }
0x53: {  	_ =	swait.ge [sflag:s5], $0x8000  }
0x54: {  	[sflag:s5] =	ssyncset.done $0x0  }
0x55: {  	[sflag:s5] =	ssyncadd.s32 $0xFFFF8000  }
0x56: {  	[tilespmem:s6], [sflag:$0x1] =	stream.linear.gather [hbm4b:s22+s6], $0x8000, $0x38;
	[tilespmem:$0x1C180] =	vst v63  }
0x57: {  	_ =	swait.ge [sflag:s1], $0x8000  }
0x58: {  	[sflag:s1] =	ssyncset.done $0x0  }
0x59: {  	[sflag:s1] =	ssyncadd.s32 $0xFFFF8000  }
0x5a: {  	[hbm4b:s21+s6] =	stream.linear.scatter [tilespmem:s30], [sflag:$0x6], $0x8000, $0x38;
	[tilespmem:$0x1C180] =	vst v63  }
0x5b: {  	_ =	swait.ge [sflag:s2], $0x8000  }
0x5c: {  	[sflag:s2] =	ssyncset.done $0x0  }
0x5d: {  	[sflag:s2] =	ssyncadd.s32 $0xFFFF8000  }
0x5e: {  	[tilespmem:s29], [sflag:$0x2] =	stream.linear.gather [hbm4b:s23+s6], $0x8000, $0x38;
	[tilespmem:$0x1C180] =	vst v63  }
0x5f: {  	_ =	swait.ge [sflag:s31], $0x8000  }
0x60: {  	[sflag:s31] =	ssyncset.done $0x0  }
0x61: {  	[sflag:s31] =	ssyncadd.s32 $0xFFFF8000  }
0x62: {  	[hbm4b:s24+s6] =	stream.linear.scatter [tilespmem:s6], [sflag:$0x4], $0x8000, $0x38;
	[tilespmem:$0x1C180] =	vst v63  }
0x63: {  	_ =	swait.ge [sflag:s0], $0x8000  }
0x64: {  	[sflag:s0] =	ssyncset.done $0x0  }
0x65: {  	[sflag:s0] =	ssyncadd.s32 $0xFFFF8000  }
0x66: {  	[hbm4b:s25+s6] =	stream.linear.scatter [tilespmem:s29], [sflag:$0x5], $0x8000, $0x38;
	[tilespmem:$0x1C180] =	vst v63  }
0x67: {  	_ =	swait.ge [sflag:s28], $0x8000  }
0x68: {  	s13 =	sand.u32 $0x7FF, s9;
	[sflag:s28] =	ssyncset.done $0x0  }
0x69: {  	p1 =	slt.s32 s9, $0x1;
	p2 =	sne.s32 s13, $0x0;
	[sflag:s28] =	ssyncadd.s32 $0xFFFF8000  }
0x6a: {  	p1 =	por !p1, !p2;
	s11 =	sshra.s32 s9, $0x1F;
	_ =	swait.ge [sflag:s5], $0x8000  }
0x6b: {  	p1 =	por !p1, !p1;
	s14 =	sshrl.u32 s11, $0x15;
	[sflag:s5] =	ssyncset.done $0x0  }
0x6c: {  	s11 =	simm.s32 $0x1;
	s10 =	sadd.s32 s14, s9;
	[sflag:s5] =	ssyncadd.s32 $0xFFFF8000  }
0x6d: {  	s11 =	simm.s32 @!p1 $0x0;
	s10 =	sshra.s32 s10, $0xB;
	_ =	swait.ge [sflag:s2], $0x8000  }
0x6e: {  	s10 =	ssub.s32 s10, s11;
	[sflag:s2] =	ssyncset.done $0x0  }
0x6f: {  	p1 =	sne.s32 s8, s10;
	[sflag:s2] =	ssyncadd.s32 $0xFFFF8000  }
0x70: {  	s10 =	simm.s32 @!p1 $0x0;
	s11 =	simm.s32 @!p1 $0x1C000;
	s12 =	rddreg [dreg:$0x1]  }
0x71: {  	[tilespmem:s11], [sflag:$0x8] =	stream.linear.gather @!p1 [hbm4b:s12+s10], $0x80, $0x38;
	[tilespmem:$0x1C180] =	vst v63  }
0x72: {  	s12 =	simm.s32 @!p1 $0x8  }
0x73: {  	_ =	swait.ge @!p1 [sflag:s12], $0x80  }
0x74: {  	[sflag:s12] =	ssyncset.done @!p1 $0x0  }
0x75: {  	s13 =	sshll.u32 @!p1 s9, $0x4;
	[sflag:s12] =	ssyncadd.s32 @!p1 $0xFFFFFF80  }
0x76: {  	s13 =	sand.u32 @!p1 $0x1FFFFFF0, s13;
	s14 =	rddreg [dreg:$0x4]  }
.Ltmp2:
0x77: {  	s13 =	sadd.s32 @!p1 s14, s13;
	(pc) =	sbr.rel @p0 .LBB2_3-.Ltmp2, $4  }
0x78: {  	[hbm4b:s13+s10] =	stream.linear.scatter @!p1 [tilespmem:s11], [sflag:$0x8], $0x80, $0x38;
	[tilespmem:$0x1C180] =	vst v63  }
0x79: {  	_ =	swait.ge @!p1 [sflag:s12], $0x80  }
0x7a: {  	[sflag:s12] =	ssyncset.done @!p1 $0x0  }
0x7b: {  	[sflag:s12] =	ssyncadd.s32 @!p1 $0xFFFFFF80  }
0x7c: {  	s10 =	rddreg [dreg:$0x3];
	p1 =	sgt.u32 s9, $0x3FFF  }
0x7d: {  	[tilespmem:s3], [sflag:$0x7] =	stream.linear.gather [hbm4b:s10+s6], $0x4000, $0x38;
	[tilespmem:$0x1C180] =	vst v63  }
0x7e: {  	s10 =	sand.u32 @!p1 $0xF, s9  }
0x7f: {  	p2 =	slt.s32 @!p1 s9, $0x1;
	p3 =	sne.s32 @!p1 s10, $0x0  }
0x80: {  	p2 =	por @!p1 !p2, !p3  }
0x81: {  	p2 =	por @!p1 !p2, !p2  }
0x82: {  	s10 =	simm.s32 @!p1 $0xFFFFFFFF;
	p2 =	por !p2, p1  }
0x83: {  	s10 =	simm.s32 @p2 $0x0  }
0x84: {  	_ =	swait.ge [sflag:s7], $0x4000;
	s10 =	sshll.u32 @!p1 s10, $0x4  }
0x85: {  	[sflag:s7] =	ssyncset.done $0x0;
	s10 =	sadd.s32 @!p1 s9, s10  }
0x86: {  	[sflag:s7] =	ssyncadd.s32 $0xFFFFC000;
	s10 =	sand.u32 @!p1 $0xFFFFFFF0, s10  }
0x87: {  	v1 =	vld @!p1 [tilespmem:s10+$0x18000];
	_ =	sdelay $0x1  }
0x88: {  	s11 =	ssub.s32 @!p1 s9, s10  }
0x89: {  	v3 =	vlaneseq.u32 @!p1;
	v4 =	vbroadcast @!p1 v0, $0x0;
	v2 =	vmov @!p1 s11  }
0x8a: {  	vm0 =	veq.s32 @!p1 v2, v3  }
0x8b: {  	v1 =	vsel @!p1 vm0, v4, v1  }
0x8c: {  	s11 =	rddreg [dreg:$0x5];
	[tilespmem:s10+$0x18000] =	vst @!p1 v1;
	s10 =	sand.u32 $0xFFFFC000, s9  }
0x8d: {  	[hbm4b:s11+s6] =	stream.linear.scatter [tilespmem:s3], [sflag:$0x7], $0x4000, $0x38;
	[tilespmem:$0x1C180] =	vst v63  }
0x8e: {  	p1 =	sne.s32 s10, $0x4000  }
0x8f: {  	_ =	swait.ge [sflag:s7], $0x4000;
	s11 =	sand.u32 @!p1 $0xF, s9  }
0x90: {  	p2 =	slt.u32 @!p1 s9, $0x4001;
	[sflag:s7] =	ssyncset.done $0x0;
	p3 =	sne.s32 @!p1 s11, $0x0  }
0x91: {  	s12 =	rddreg [dreg:$0xe];
	[sflag:s7] =	ssyncadd.s32 $0xFFFFC000;
	p2 =	por @!p1 !p2, !p3  }
0x92: {  	[tilespmem:s3], [sflag:$0x7] =	stream.linear.gather [hbm4b:s12+s6], $0x4000, $0x38;
	[tilespmem:$0x1C180] =	vst v63  }
0x93: {  	p2 =	por @!p1 !p2, !p2  }
0x94: {  	s11 =	simm.s32 @!p1 $0xFFFFFFFF;
	p2 =	por !p2, p1  }
0x95: {  	s11 =	simm.s32 @p2 $0x0  }
0x96: {  	s12 =	sadd.s32 @!p1 $0xFFFFC000, s9;
	_ =	swait.ge [sflag:s7], $0x4000;
	s11 =	sshll.u32 @!p1 s11, $0x4  }
0x97: {  	[sflag:s7] =	ssyncset.done $0x0;
	s11 =	sadd.s32 @!p1 s12, s11  }
0x98: {  	[sflag:s7] =	ssyncadd.s32 $0xFFFFC000;
	s11 =	sand.u32 @!p1 $0xFFFFFFF0, s11  }
0x99: {  	v1 =	vld @!p1 [tilespmem:s11+$0x18000];
	_ =	sdelay $0x1  }
0x9a: {  	s12 =	ssub.s32 @!p1 s12, s11  }
0x9b: {  	v3 =	vlaneseq.u32 @!p1;
	v4 =	vbroadcast @!p1 v0, $0x0;
	v2 =	vmov @!p1 s12  }
0x9c: {  	vm0 =	veq.s32 @!p1 v2, v3  }
0x9d: {  	v1 =	vsel @!p1 vm0, v4, v1  }
0x9e: {  	s13 =	rddreg [dreg:$0xf];
	[tilespmem:s11+$0x18000] =	vst @!p1 v1;
	p1 =	sne.s32 s10, $0x8000  }
0x9f: {  	[hbm4b:s13+s6] =	stream.linear.scatter [tilespmem:s3], [sflag:$0x7], $0x4000, $0x38;
	[tilespmem:$0x1C180] =	vst v63  }
0xa0: {  	s11 =	sand.u32 @!p1 $0xF, s9  }
0xa1: {  	p2 =	slt.u32 @!p1 s9, $0x8001;
	_ =	swait.ge [sflag:s7], $0x4000;
	p3 =	sne.s32 @!p1 s11, $0x0  }
0xa2: {  	[sflag:s7] =	ssyncset.done $0x0;
	p2 =	por @!p1 !p2, !p3  }
0xa3: {  	s14 =	rddreg [dreg:$0x10];
	[sflag:s7] =	ssyncadd.s32 $0xFFFFC000;
	p2 =	por @!p1 !p2, !p2  }
0xa4: {  	[tilespmem:s3], [sflag:$0x7] =	stream.linear.gather [hbm4b:s14+s6], $0x4000, $0x38;
	[tilespmem:$0x1C180] =	vst v63  }
0xa5: {  	s11 =	simm.s32 @!p1 $0xFFFFFFFF;
	p2 =	por !p2, p1  }
0xa6: {  	s11 =	simm.s32 @p2 $0x0  }
0xa7: {  	s12 =	sadd.s32 @!p1 $0xFFFF8000, s9;
	_ =	swait.ge [sflag:s7], $0x4000;
	s11 =	sshll.u32 @!p1 s11, $0x4  }
0xa8: {  	[sflag:s7] =	ssyncset.done $0x0;
	s11 =	sadd.s32 @!p1 s12, s11  }
0xa9: {  	[sflag:s7] =	ssyncadd.s32 $0xFFFFC000;
	s11 =	sand.u32 @!p1 $0xFFFFFFF0, s11  }
0xaa: {  	v1 =	vld @!p1 [tilespmem:s11+$0x18000];
	_ =	sdelay $0x1  }
0xab: {  	s12 =	ssub.s32 @!p1 s12, s11  }
0xac: {  	v3 =	vlaneseq.u32 @!p1;
	v4 =	vbroadcast @!p1 v0, $0x0;
	v2 =	vmov @!p1 s12  }
0xad: {  	vm0 =	veq.s32 @!p1 v2, v3  }
0xae: {  	v1 =	vsel @!p1 vm0, v4, v1  }
0xaf: {  	s12 =	rddreg [dreg:$0x11];
	[tilespmem:s11+$0x18000] =	vst @!p1 v1;
	p1 =	sne.s32 s10, $0xC000  }
0xb0: {  	[hbm4b:s12+s6] =	stream.linear.scatter [tilespmem:s3], [sflag:$0x7], $0x4000, $0x38;
	[tilespmem:$0x1C180] =	vst v63  }
0xb1: {  	s10 =	sand.u32 @!p1 $0xF, s9  }
0xb2: {  	p2 =	slt.u32 @!p1 s9, $0xC001;
	_ =	swait.ge [sflag:s7], $0x4000;
	p3 =	sne.s32 @!p1 s10, $0x0  }
0xb3: {  	[sflag:s7] =	ssyncset.done $0x0;
	p2 =	por @!p1 !p2, !p3  }
0xb4: {  	s13 =	rddreg [dreg:$0x12];
	[sflag:s7] =	ssyncadd.s32 $0xFFFFC000;
	p2 =	por @!p1 !p2, !p2  }
0xb5: {  	[tilespmem:s3], [sflag:$0x7] =	stream.linear.gather [hbm4b:s13+s6], $0x4000, $0x38;
	[tilespmem:$0x1C180] =	vst v63  }
0xb6: {  	s10 =	simm.s32 @!p1 $0xFFFFFFFF;
	p2 =	por !p2, p1  }
0xb7: {  	s10 =	simm.s32 @p2 $0x0  }
0xb8: {  	s9 =	sadd.s32 @!p1 $0xFFFF4000, s9;
	_ =	swait.ge [sflag:s7], $0x4000;
	s10 =	sshll.u32 @!p1 s10, $0x4  }
0xb9: {  	[sflag:s7] =	ssyncset.done $0x0;
	s10 =	sadd.s32 @!p1 s9, s10  }
0xba: {  	[sflag:s7] =	ssyncadd.s32 $0xFFFFC000;
	s10 =	sand.u32 @!p1 $0xFFFFFFF0, s10  }
0xbb: {  	v1 =	vld @!p1 [tilespmem:s10+$0x18000];
	_ =	sdelay $0x1  }
0xbc: {  	s9 =	ssub.s32 @!p1 s9, s10  }
0xbd: {  	v3 =	vlaneseq.u32 @!p1;
	v0 =	vbroadcast @!p1 v0, $0x0;
	v2 =	vmov @!p1 s9  }
0xbe: {  	vm0 =	veq.s32 @!p1 v2, v3  }
0xbf: {  	v0 =	vsel @!p1 vm0, v0, v1  }
.Ltmp3:
0xc0: {  	s14 =	rddreg [dreg:$0x13];
	[tilespmem:s10+$0x18000] =	vst @!p1 v0;
	(pc) =	sbr.rel .LBB2_3-.Ltmp3, $4  }
0xc1: {  	[hbm4b:s14+s6] =	stream.linear.scatter [tilespmem:s3], [sflag:$0x7], $0x4000, $0x38;
	[tilespmem:$0x1C180] =	vst v63  }
0xc2: {  	_ =	swait.ge [sflag:s7], $0x4000  }
0xc3: {  	[sflag:s7] =	ssyncset.done $0x0  }
0xc4: {  	[sflag:s7] =	ssyncadd.s32 $0xFFFFC000  }
.LBB2_4:
0xc5: {  	_ =	sfence.sel $0x180000  }
0xc6: {  	[bflag:$0x0] =	sbarrier.arrive $0xFFFF  }
0xc7: {  	_ =	strace $0x90000047  }
0xc8: {  	s0 =	stileid.u32;
	[bflag:$0x2] =	sbarrier.arrive $0xFFFF  }
0xc9: {  	p0 =	sne.s32 s0, $0x0;
	s0 =	rddreg [dreg:$0x6]  }
0xca: {  	s0 =	sadd.s32 @!p0 $0x100000, s0  }
0xcb: {  	[sflag:s0] =	ssyncadd.tile.s32 @!p0 $0x1;
	_ =	shalt  }
.Lfunc_end2:
_tile_overlayer_lowered:
.L_overlay_start_2:
0xcc: {  	(tag) =	ssettag $0x2  }
0xcd: {  	s0 =	rddreg [dreg:$0x0];
	s2 =	stileid.u32  }
0xce: {  	s1 =	rddreg [dreg:$0x1];
	p0 =	sne.s32 s2, $0x0  }
0xcf: {  	s3 =	rddreg [dreg:$0x2];
	[bflag:$0x3] =	sbarrier.arrive $0xFFFF;
	s2 =	simm.s32 @!p0 $0x1C09  }
0xd0: {  	[timem:s3], [sflag:s2] =	dma.local @!p0 [hbm:s0], s1  }
0xd1: {  	s0 =	simm.s32 @!p0 $0x9  }
0xd2: {  	_ =	swait.ge @!p0 [sflag:s0], s1  }
0xd3: {  	s1 =	ssub.s32 @!p0 $0x0, s1;
	[sflag:s0] =	ssyncset.done @!p0 $0x0  }
0xd4: {  	[sflag:s0] =	ssyncadd.s32 @!p0 s1  }
0xd5: {  	[bflag:$0x3] =	sbarrier.arrive $0xFFFF  }
0xd6: {  	_ =	shalt  }

</sc_bundles>
